<compile_context>
chip_gen: v7x
topology: tpu7x:2x2x1
jax: 0.10.2.dev20260603
libtpu: 0.0.44.dev20260713+nightly
codegen_flags: <defaults>
</compile_context>

<pallas_src>
import functools

import jax
import jax.numpy as jnp
from jax import lax
from jax.experimental import pallas as pl
from jax.experimental.pallas import tpu as pltpu
from jax.experimental.pallas import tpu_sc as plsc


def _fuse_body(t_ref, p_ref, o_ref):
    o_ref[...] = t_ref[...] + p_ref[...]


@functools.cache
def _make_fuse(v, d, block):
    grid = v // block
    return pl.pallas_call(
        _fuse_body,
        out_shape=jax.ShapeDtypeStruct((v, d), jnp.float32),
        grid=(grid,),
        in_specs=[
            pl.BlockSpec((block, d), lambda i: (i, 0)),
            pl.BlockSpec((block, d), lambda i: (i, 0)),
        ],
        out_specs=pl.BlockSpec((block, d), lambda i: (i, 0)),
    )


@functools.cache
def _make_gather(total_b, v, d, chunk):
    info = plsc.get_sparse_core_info()
    nw = info.num_cores * info.num_subcores
    assert total_b % (nw * chunk) == 0
    bpw = total_b // nw
    nchunks = bpw // chunk
    assert nchunks % 4 == 0 and nchunks >= 8
    mesh = plsc.VectorSubcoreMesh(core_axis_name="c", subcore_axis_name="s")

    @functools.partial(
        pl.kernel,
        mesh=mesh,
        out_type=jax.ShapeDtypeStruct((total_b, d), jnp.float32),
        scratch_types=[
            pltpu.VMEM((bpw,), jnp.int32),
            pltpu.VMEM((4, chunk, d), jnp.float32),
            pltpu.SemaphoreType.DMA,
            pltpu.SemaphoreType.DMA,
            pltpu.SemaphoreType.DMA,
            pltpu.SemaphoreType.DMA,
            pltpu.SemaphoreType.DMA,
            pltpu.SemaphoreType.DMA,
            pltpu.SemaphoreType.DMA,
            pltpu.SemaphoreType.DMA,
        ],
    )
    def gather_k(table_hbm, idx_hbm, out_hbm, idx_v, rows_v, *sems):
        gsems = sems[:4]
        osems = sems[4:]
        wid = lax.axis_index("s") * info.num_cores + lax.axis_index("c")
        base = wid * bpw
        pltpu.sync_copy(idx_hbm.at[pl.ds(base, bpw)], idx_v)

        def start_gather(i, b):
            off = pl.multiple_of(i * chunk, chunk)
            pltpu.async_copy(
                table_hbm.at[idx_v.at[pl.ds(off, chunk)]], rows_v.at[b], gsems[b]
            )

        def wait_gather(b):
            pltpu.make_async_copy(
                table_hbm.at[idx_v.at[pl.ds(0, chunk)]], rows_v.at[b], gsems[b]
            ).wait()

        def start_write(i, b):
            off = pl.multiple_of(i * chunk, chunk)
            pltpu.async_copy(
                rows_v.at[b], out_hbm.at[pl.ds(base + off, chunk)], osems[b]
            )

        def wait_write(b):
            pltpu.make_async_copy(
                rows_v.at[b], out_hbm.at[pl.ds(base, chunk)], osems[b]
            ).wait()

        start_gather(0, 0)
        start_gather(1, 1)
        wait_gather(0)
        start_write(0, 0)
        start_gather(2, 2)
        wait_gather(1)
        start_write(1, 1)
        start_gather(3, 3)

        def body(j, carry):
            for u in range(4):
                i = j * 4 + 2 + u
                b = (2 + u) % 4
                wait_gather(b)
                start_write(i, b)
                b2 = (b + 2) % 4
                wait_write(b2)
                start_gather(i + 2, b2)
            return carry

        lax.fori_loop(0, (nchunks - 4) // 4, body, 0)

        for step, b in ((nchunks - 2, (nchunks - 2) % 4), (nchunks - 1, (nchunks - 1) % 4)):
            wait_gather(b)
            start_write(step, b)
        for b in range(4):
            wait_write(b)

    return gather_k


def kernel(x, text_table, pos_table):
    b, h = x.shape
    v, d = text_table.shape
    idx = x.astype(jnp.int32).reshape(-1)
    fused = _make_fuse(v, d, 10000)(text_table, pos_table)
    out = _make_gather(b * h, v, d, 128)(fused, idx)
    return out.reshape(b, h, d)

# --- scband reference (transcript-rebuilt; emitter-appended) ---
"""Pipeline reference for scband-embedding-system-72739566125077 (READ-ONLY COPY).

The authoritative reference and input builder live on the scoring server;
editing this copy changes nothing except your own understanding.
"""

import jax, jax.numpy as jnp
import numpy as np

NUM_TEXT = 100000
NUM_POS = 100000
DIM = 128
BATCH = 4096
HIST = 200


def setup_inputs(seed: int = 0) -> dict:
    key = jax.random.key(seed)
    k1, k2, k3 = jax.random.split(key, 3)
    x = jax.random.randint(k1, (BATCH, HIST), 0, NUM_TEXT, dtype=jnp.int64) if jax.config.jax_enable_x64 else jax.random.randint(k1, (BATCH, HIST), 0, NUM_TEXT, dtype=jnp.int32)
    text_table = jax.random.normal(k2, (NUM_TEXT, DIM), dtype=jnp.float32)
    pos_table = jax.random.normal(k3, (NUM_POS, DIM), dtype=jnp.float32)
    return {"x": x, "text_table": text_table, "pos_table": pos_table}


def reference(x, text_table, pos_table):
    # EmbeddingSystem.forward: encoder_embedding(x) + encoder_pos_embedding(x)
    text_emb = jnp.take(text_table, x, axis=0)
    pos_emb = jnp.take(pos_table, x, axis=0)
    return text_emb + pos_emb

if __name__ == "__main__":
    import jax
    _d = setup_inputs()
    print(jax.jit(kernel)(*tuple(_d.values())))

</pallas_src>

<mosaic_0001>
#map = affine_map<(d0, d1) -> (0, 0)>
#map1 = affine_map<(d0, d1) -> (0)>
module attributes {stable_mosaic.version = 14 : i64} {
  func.func @gather_k(%arg0: i32, %arg1: i32, %arg2: memref<100000x128xf32, #tpu.memory_space<hbm>>, %arg3: memref<819200xi32, #tpu.memory_space<hbm>>, %arg4: memref<819200x128xf32, #tpu.memory_space<hbm>>, %arg5: memref<25600xi32, #tpu.memory_space<vmem>>, %arg6: memref<4x128x128xf32, #tpu.memory_space<vmem>>, %arg7: memref<!tpu.dma_semaphore, #tpu.memory_space<semaphore_mem>>, %arg8: memref<!tpu.dma_semaphore, #tpu.memory_space<semaphore_mem>>, %arg9: memref<!tpu.dma_semaphore, #tpu.memory_space<semaphore_mem>>, %arg10: memref<!tpu.dma_semaphore, #tpu.memory_space<semaphore_mem>>, %arg11: memref<!tpu.dma_semaphore, #tpu.memory_space<semaphore_mem>>, %arg12: memref<!tpu.dma_semaphore, #tpu.memory_space<semaphore_mem>>, %arg13: memref<!tpu.dma_semaphore, #tpu.memory_space<semaphore_mem>>, %arg14: memref<!tpu.dma_semaphore, #tpu.memory_space<semaphore_mem>>) attributes {dimension_semantics = [#tpu.dimension_semantics<core_parallel>, #tpu.dimension_semantics<subcore_parallel>], iteration_bounds = array<i64: 2, 16>, scalar_prefetch = 0 : i64, scratch_operands = 10 : i64, tpu.core_type = #tpu.core_type<sc_vector_subcore>, window_params = [{transform_indices = #map}, {transform_indices = #map1}, {transform_indices = #map}]} {
    %mul3A = arith.constant 2 : i32
    %mul3A_0 = arith.muli %arg1, %mul3A : i32
    %add3A = arith.addi %mul3A_0, %arg0 : i32
    %mul3A_1 = arith.constant 25600 : i32
    %mul3A_2 = arith.muli %add3A, %mul3A_1 : i32
    "tpu.region"() ({
      %run_scoped3A = tpu.sem_alloc : memref<!tpu.dma_semaphore, #tpu.memory_space<semaphore_mem>>
      %dma_start3A_205 = tpu.memref_slice %arg3[%mul3A_2] : memref<819200xi32, #tpu.memory_space<hbm>> -> memref<25600xi32, #tpu.memory_space<hbm>>
      %dma_start3A_206 = tpu.memref_slice %arg3[%mul3A_2] : memref<819200xi32, #tpu.memory_space<hbm>> -> memref<25600xi32, #tpu.memory_space<hbm>>
      tpu.enqueue_dma source(%dma_start3A_206 : memref<25600xi32, #tpu.memory_space<hbm>>) target(%arg5 : memref<25600xi32, #tpu.memory_space<vmem>>) target_semaphore(%run_scoped3A : memref<!tpu.dma_semaphore, #tpu.memory_space<semaphore_mem>>)
      %dma_wait3A_207 = tpu.memref_slice %arg3[%mul3A_2] : memref<819200xi32, #tpu.memory_space<hbm>> -> memref<25600xi32, #tpu.memory_space<hbm>>
      %dma_wait3A_208 = tpu.memref_slice %arg3[%mul3A_2] : memref<819200xi32, #tpu.memory_space<hbm>> -> memref<25600xi32, #tpu.memory_space<hbm>>
      tpu.wait_dma2 semaphore(%run_scoped3A : memref<!tpu.dma_semaphore, #tpu.memory_space<semaphore_mem>>) src(%dma_wait3A_208 : memref<25600xi32, #tpu.memory_space<hbm>>) dst(%arg5 : memref<25600xi32, #tpu.memory_space<vmem>>)
      tpu.yield
    }) : () -> ()
    %multiple_of3A = arith.constant 0 : i32
    %multiple_of3A_3 = tpu.assume_multiple %multiple_of3A, 128 : i32
    %dma_start3A = arith.constant 0 : i32
    %dma_start3A_4 = arith.constant 0 : i32
    %dma_start3A_5 = arith.constant 0 : i32
    %dma_start3A_6 = tpu.memref_slice %arg6[%dma_start3A, %dma_start3A_4, %dma_start3A_5] : memref<4x128x128xf32, #tpu.memory_space<vmem>> -> memref<1x128x128xf32, #tpu.memory_space<vmem>>
    %dma_start3A_7 = tpu.memref_squeeze %dma_start3A_6 : memref<1x128x128xf32, #tpu.memory_space<vmem>> -> memref<128x128xf32, #tpu.memory_space<vmem>>
    %dma_start3A_8 = tpu.memref_slice %arg5[%multiple_of3A_3] : memref<25600xi32, #tpu.memory_space<vmem>> -> memref<128xi32, #tpu.memory_space<vmem>>
    %dma_start3A_9 = arith.constant 0 : i32
    %dma_start3A_10 = arith.constant 0 : i32
    %dma_start3A_11 = tpu.memref_slice %arg2[%dma_start3A_9, %dma_start3A_10] : memref<100000x128xf32, #tpu.memory_space<hbm>> -> memref<100000x128xf32, #tpu.memory_space<hbm>>
    tpu.enqueue_indirect_dma source(%dma_start3A_11 : memref<100000x128xf32, #tpu.memory_space<hbm>>) target(%dma_start3A_7 : memref<128x128xf32, #tpu.memory_space<vmem>>) offsets(%dma_start3A_8 : memref<128xi32, #tpu.memory_space<vmem>>) semaphore(%arg7 : memref<!tpu.dma_semaphore, #tpu.memory_space<semaphore_mem>>)
    %multiple_of3A_12 = arith.constant 128 : i32
    %multiple_of3A_13 = tpu.assume_multiple %multiple_of3A_12, 128 : i32
    %dma_start3A_14 = arith.constant 1 : i32
    %dma_start3A_15 = arith.constant 0 : i32
    %dma_start3A_16 = arith.constant 0 : i32
    %dma_start3A_17 = tpu.memref_slice %arg6[%dma_start3A_14, %dma_start3A_15, %dma_start3A_16] : memref<4x128x128xf32, #tpu.memory_space<vmem>> -> memref<1x128x128xf32, #tpu.memory_space<vmem>>
    %dma_start3A_18 = tpu.memref_squeeze %dma_start3A_17 : memref<1x128x128xf32, #tpu.memory_space<vmem>> -> memref<128x128xf32, #tpu.memory_space<vmem>>
    %dma_start3A_19 = tpu.memref_slice %arg5[%multiple_of3A_13] : memref<25600xi32, #tpu.memory_space<vmem>> -> memref<128xi32, #tpu.memory_space<vmem>>
    %dma_start3A_20 = arith.constant 0 : i32
    %dma_start3A_21 = arith.constant 0 : i32
    %dma_start3A_22 = tpu.memref_slice %arg2[%dma_start3A_20, %dma_start3A_21] : memref<100000x128xf32, #tpu.memory_space<hbm>> -> memref<100000x128xf32, #tpu.memory_space<hbm>>
    tpu.enqueue_indirect_dma source(%dma_start3A_22 : memref<100000x128xf32, #tpu.memory_space<hbm>>) target(%dma_start3A_18 : memref<128x128xf32, #tpu.memory_space<vmem>>) offsets(%dma_start3A_19 : memref<128xi32, #tpu.memory_space<vmem>>) semaphore(%arg8 : memref<!tpu.dma_semaphore, #tpu.memory_space<semaphore_mem>>)
    %dma_wait3A = arith.constant 0 : i32
    %dma_wait3A_23 = arith.constant 0 : i32
    %dma_wait3A_24 = arith.constant 0 : i32
    %dma_wait3A_25 = tpu.memref_slice %arg6[%dma_wait3A, %dma_wait3A_23, %dma_wait3A_24] : memref<4x128x128xf32, #tpu.memory_space<vmem>> -> memref<1x128x128xf32, #tpu.memory_space<vmem>>
    %dma_wait3A_26 = tpu.memref_squeeze %dma_wait3A_25 : memref<1x128x128xf32, #tpu.memory_space<vmem>> -> memref<128x128xf32, #tpu.memory_space<vmem>>
    %dma_wait3A_27 = arith.constant 0 : i32
    %dma_wait3A_28 = tpu.memref_slice %arg5[%dma_wait3A_27] : memref<25600xi32, #tpu.memory_space<vmem>> -> memref<128xi32, #tpu.memory_space<vmem>>
    %dma_wait3A_29 = arith.constant 0 : i32
    %dma_wait3A_30 = arith.constant 0 : i32
    %dma_wait3A_31 = tpu.memref_slice %arg2[%dma_wait3A_29, %dma_wait3A_30] : memref<100000x128xf32, #tpu.memory_space<hbm>> -> memref<100000x128xf32, #tpu.memory_space<hbm>>
    tpu.wait_indirect_dma semaphore(%arg7 : memref<!tpu.dma_semaphore, #tpu.memory_space<semaphore_mem>>) src(%dma_wait3A_31 : memref<100000x128xf32, #tpu.memory_space<hbm>>) dst(%dma_wait3A_26 : memref<128x128xf32, #tpu.memory_space<vmem>>)
    %multiple_of3A_32 = arith.constant 0 : i32
    %multiple_of3A_33 = tpu.assume_multiple %multiple_of3A_32, 128 : i32
    %add3A_34 = arith.addi %mul3A_2, %multiple_of3A_33 : i32
    %dma_start3A_35 = arith.constant 0 : i32
    %dma_start3A_36 = arith.constant 0 : i32
    %dma_start3A_37 = arith.constant 0 : i32
    %dma_start3A_38 = tpu.memref_slice %arg6[%dma_start3A_35, %dma_start3A_36, %dma_start3A_37] : memref<4x128x128xf32, #tpu.memory_space<vmem>> -> memref<1x128x128xf32, #tpu.memory_space<vmem>>
    %dma_start3A_39 = tpu.memref_squeeze %dma_start3A_38 : memref<1x128x128xf32, #tpu.memory_space<vmem>> -> memref<128x128xf32, #tpu.memory_space<vmem>>
    %dma_start3A_40 = arith.constant 0 : i32
    %dma_start3A_41 = tpu.memref_slice %arg4[%add3A_34, %dma_start3A_40] : memref<819200x128xf32, #tpu.memory_space<hbm>> -> memref<128x128xf32, #tpu.memory_space<hbm>>
    %dma_start3A_42 = arith.constant 0 : i32
    %dma_start3A_43 = tpu.memref_slice %arg4[%add3A_34, %dma_start3A_42] : memref<819200x128xf32, #tpu.memory_space<hbm>> -> memref<128x128xf32, #tpu.memory_space<hbm>>
    %dma_start3A_44 = arith.constant 0 : i32
    %dma_start3A_45 = arith.constant 0 : i32
    %dma_start3A_46 = tpu.memref_slice %arg6[%dma_start3A_35, %dma_start3A_44, %dma_start3A_45] : memref<4x128x128xf32, #tpu.memory_space<vmem>> -> memref<1x128x128xf32, #tpu.memory_space<vmem>>
    %dma_start3A_47 = tpu.memref_squeeze %dma_start3A_46 : memref<1x128x128xf32, #tpu.memory_space<vmem>> -> memref<128x128xf32, #tpu.memory_space<vmem>>
    tpu.enqueue_dma source(%dma_start3A_47 : memref<128x128xf32, #tpu.memory_space<vmem>>) target(%dma_start3A_43 : memref<128x128xf32, #tpu.memory_space<hbm>>) target_semaphore(%arg11 : memref<!tpu.dma_semaphore, #tpu.memory_space<semaphore_mem>>)
    %multiple_of3A_48 = arith.constant 256 : i32
    %multiple_of3A_49 = tpu.assume_multiple %multiple_of3A_48, 128 : i32
    %dma_start3A_50 = arith.constant 2 : i32
    %dma_start3A_51 = arith.constant 0 : i32
    %dma_start3A_52 = arith.constant 0 : i32
    %dma_start3A_53 = tpu.memref_slice %arg6[%dma_start3A_50, %dma_start3A_51, %dma_start3A_52] : memref<4x128x128xf32, #tpu.memory_space<vmem>> -> memref<1x128x128xf32, #tpu.memory_space<vmem>>
    %dma_start3A_54 = tpu.memref_squeeze %dma_start3A_53 : memref<1x128x128xf32, #tpu.memory_space<vmem>> -> memref<128x128xf32, #tpu.memory_space<vmem>>
    %dma_start3A_55 = tpu.memref_slice %arg5[%multiple_of3A_49] : memref<25600xi32, #tpu.memory_space<vmem>> -> memref<128xi32, #tpu.memory_space<vmem>>
    %dma_start3A_56 = arith.constant 0 : i32
    %dma_start3A_57 = arith.constant 0 : i32
    %dma_start3A_58 = tpu.memref_slice %arg2[%dma_start3A_56, %dma_start3A_57] : memref<100000x128xf32, #tpu.memory_space<hbm>> -> memref<100000x128xf32, #tpu.memory_space<hbm>>
    tpu.enqueue_indirect_dma source(%dma_start3A_58 : memref<100000x128xf32, #tpu.memory_space<hbm>>) target(%dma_start3A_54 : memref<128x128xf32, #tpu.memory_space<vmem>>) offsets(%dma_start3A_55 : memref<128xi32, #tpu.memory_space<vmem>>) semaphore(%arg9 : memref<!tpu.dma_semaphore, #tpu.memory_space<semaphore_mem>>)
    %dma_wait3A_59 = arith.constant 1 : i32
    %dma_wait3A_60 = arith.constant 0 : i32
    %dma_wait3A_61 = arith.constant 0 : i32
    %dma_wait3A_62 = tpu.memref_slice %arg6[%dma_wait3A_59, %dma_wait3A_60, %dma_wait3A_61] : memref<4x128x128xf32, #tpu.memory_space<vmem>> -> memref<1x128x128xf32, #tpu.memory_space<vmem>>
    %dma_wait3A_63 = tpu.memref_squeeze %dma_wait3A_62 : memref<1x128x128xf32, #tpu.memory_space<vmem>> -> memref<128x128xf32, #tpu.memory_space<vmem>>
    %dma_wait3A_64 = arith.constant 0 : i32
    %dma_wait3A_65 = tpu.memref_slice %arg5[%dma_wait3A_64] : memref<25600xi32, #tpu.memory_space<vmem>> -> memref<128xi32, #tpu.memory_space<vmem>>
    %dma_wait3A_66 = arith.constant 0 : i32
    %dma_wait3A_67 = arith.constant 0 : i32
    %dma_wait3A_68 = tpu.memref_slice %arg2[%dma_wait3A_66, %dma_wait3A_67] : memref<100000x128xf32, #tpu.memory_space<hbm>> -> memref<100000x128xf32, #tpu.memory_space<hbm>>
    tpu.wait_indirect_dma semaphore(%arg8 : memref<!tpu.dma_semaphore, #tpu.memory_space<semaphore_mem>>) src(%dma_wait3A_68 : memref<100000x128xf32, #tpu.memory_space<hbm>>) dst(%dma_wait3A_63 : memref<128x128xf32, #tpu.memory_space<vmem>>)
    %multiple_of3A_69 = arith.constant 128 : i32
    %multiple_of3A_70 = tpu.assume_multiple %multiple_of3A_69, 128 : i32
    %add3A_71 = arith.addi %mul3A_2, %multiple_of3A_70 : i32
    %dma_start3A_72 = arith.constant 1 : i32
    %dma_start3A_73 = arith.constant 0 : i32
    %dma_start3A_74 = arith.constant 0 : i32
    %dma_start3A_75 = tpu.memref_slice %arg6[%dma_start3A_72, %dma_start3A_73, %dma_start3A_74] : memref<4x128x128xf32, #tpu.memory_space<vmem>> -> memref<1x128x128xf32, #tpu.memory_space<vmem>>
    %dma_start3A_76 = tpu.memref_squeeze %dma_start3A_75 : memref<1x128x128xf32, #tpu.memory_space<vmem>> -> memref<128x128xf32, #tpu.memory_space<vmem>>
    %dma_start3A_77 = arith.constant 0 : i32
    %dma_start3A_78 = tpu.memref_slice %arg4[%add3A_71, %dma_start3A_77] : memref<819200x128xf32, #tpu.memory_space<hbm>> -> memref<128x128xf32, #tpu.memory_space<hbm>>
    %dma_start3A_79 = arith.constant 0 : i32
    %dma_start3A_80 = tpu.memref_slice %arg4[%add3A_71, %dma_start3A_79] : memref<819200x128xf32, #tpu.memory_space<hbm>> -> memref<128x128xf32, #tpu.memory_space<hbm>>
    %dma_start3A_81 = arith.constant 0 : i32
    %dma_start3A_82 = arith.constant 0 : i32
    %dma_start3A_83 = tpu.memref_slice %arg6[%dma_start3A_72, %dma_start3A_81, %dma_start3A_82] : memref<4x128x128xf32, #tpu.memory_space<vmem>> -> memref<1x128x128xf32, #tpu.memory_space<vmem>>
    %dma_start3A_84 = tpu.memref_squeeze %dma_start3A_83 : memref<1x128x128xf32, #tpu.memory_space<vmem>> -> memref<128x128xf32, #tpu.memory_space<vmem>>
    tpu.enqueue_dma source(%dma_start3A_84 : memref<128x128xf32, #tpu.memory_space<vmem>>) target(%dma_start3A_80 : memref<128x128xf32, #tpu.memory_space<hbm>>) target_semaphore(%arg12 : memref<!tpu.dma_semaphore, #tpu.memory_space<semaphore_mem>>)
    %multiple_of3A_85 = arith.constant 384 : i32
    %multiple_of3A_86 = tpu.assume_multiple %multiple_of3A_85, 128 : i32
    %dma_start3A_87 = arith.constant 3 : i32
    %dma_start3A_88 = arith.constant 0 : i32
    %dma_start3A_89 = arith.constant 0 : i32
    %dma_start3A_90 = tpu.memref_slice %arg6[%dma_start3A_87, %dma_start3A_88, %dma_start3A_89] : memref<4x128x128xf32, #tpu.memory_space<vmem>> -> memref<1x128x128xf32, #tpu.memory_space<vmem>>
    %dma_start3A_91 = tpu.memref_squeeze %dma_start3A_90 : memref<1x128x128xf32, #tpu.memory_space<vmem>> -> memref<128x128xf32, #tpu.memory_space<vmem>>
    %dma_start3A_92 = tpu.memref_slice %arg5[%multiple_of3A_86] : memref<25600xi32, #tpu.memory_space<vmem>> -> memref<128xi32, #tpu.memory_space<vmem>>
    %dma_start3A_93 = arith.constant 0 : i32
    %dma_start3A_94 = arith.constant 0 : i32
    %dma_start3A_95 = tpu.memref_slice %arg2[%dma_start3A_93, %dma_start3A_94] : memref<100000x128xf32, #tpu.memory_space<hbm>> -> memref<100000x128xf32, #tpu.memory_space<hbm>>
    tpu.enqueue_indirect_dma source(%dma_start3A_95 : memref<100000x128xf32, #tpu.memory_space<hbm>>) target(%dma_start3A_91 : memref<128x128xf32, #tpu.memory_space<vmem>>) offsets(%dma_start3A_92 : memref<128xi32, #tpu.memory_space<vmem>>) semaphore(%arg10 : memref<!tpu.dma_semaphore, #tpu.memory_space<semaphore_mem>>)
    %scan3A = arith.constant 0 : i32
    %scan3A_96 = arith.constant 0 : i32
    %scan3A_97 = arith.constant 49 : i32
    %scan3A_98 = arith.addi %scan3A_96, %scan3A_97 : i32
    %scan3A_99 = arith.constant 1 : i32
    scf.for %scan3A_205 = %scan3A_96 to %scan3A_98 step %scan3A_99  : i32 {
      %mul3A_206 = arith.constant 4 : i32
      %mul3A_207 = arith.muli %scan3A_205, %mul3A_206 : i32
      %add3A_208 = arith.constant 2 : i32
      %add3A_209 = arith.addi %mul3A_207, %add3A_208 : i32
      %add3A_210 = arith.constant 0 : i32
      %add3A_211 = arith.addi %add3A_209, %add3A_210 : i32
      %dma_wait3A_212 = arith.constant 2 : i32
      %dma_wait3A_213 = arith.constant 0 : i32
      %dma_wait3A_214 = arith.constant 0 : i32
      %dma_wait3A_215 = tpu.memref_slice %arg6[%dma_wait3A_212, %dma_wait3A_213, %dma_wait3A_214] : memref<4x128x128xf32, #tpu.memory_space<vmem>> -> memref<1x128x128xf32, #tpu.memory_space<vmem>>
      %dma_wait3A_216 = tpu.memref_squeeze %dma_wait3A_215 : memref<1x128x128xf32, #tpu.memory_space<vmem>> -> memref<128x128xf32, #tpu.memory_space<vmem>>
      %dma_wait3A_217 = arith.constant 0 : i32
      %dma_wait3A_218 = tpu.memref_slice %arg5[%dma_wait3A_217] : memref<25600xi32, #tpu.memory_space<vmem>> -> memref<128xi32, #tpu.memory_space<vmem>>
      %dma_wait3A_219 = arith.constant 0 : i32
      %dma_wait3A_220 = arith.constant 0 : i32
      %dma_wait3A_221 = tpu.memref_slice %arg2[%dma_wait3A_219, %dma_wait3A_220] : memref<100000x128xf32, #tpu.memory_space<hbm>> -> memref<100000x128xf32, #tpu.memory_space<hbm>>
      tpu.wait_indirect_dma semaphore(%arg9 : memref<!tpu.dma_semaphore, #tpu.memory_space<semaphore_mem>>) src(%dma_wait3A_221 : memref<100000x128xf32, #tpu.memory_space<hbm>>) dst(%dma_wait3A_216 : memref<128x128xf32, #tpu.memory_space<vmem>>)
      %mul3A_222 = arith.constant 128 : i32
      %mul3A_223 = arith.muli %add3A_211, %mul3A_222 : i32
      %multiple_of3A_224 = tpu.assume_multiple %mul3A_223, 128 : i32
      %add3A_225 = arith.addi %mul3A_2, %multiple_of3A_224 : i32
      %dma_start3A_226 = arith.constant 2 : i32
      %dma_start3A_227 = arith.constant 0 : i32
      %dma_start3A_228 = arith.constant 0 : i32
      %dma_start3A_229 = tpu.memref_slice %arg6[%dma_start3A_226, %dma_start3A_227, %dma_start3A_228] : memref<4x128x128xf32, #tpu.memory_space<vmem>> -> memref<1x128x128xf32, #tpu.memory_space<vmem>>
      %dma_start3A_230 = tpu.memref_squeeze %dma_start3A_229 : memref<1x128x128xf32, #tpu.memory_space<vmem>> -> memref<128x128xf32, #tpu.memory_space<vmem>>
      %dma_start3A_231 = arith.constant 0 : i32
      %dma_start3A_232 = tpu.memref_slice %arg4[%add3A_225, %dma_start3A_231] : memref<819200x128xf32, #tpu.memory_space<hbm>> -> memref<128x128xf32, #tpu.memory_space<hbm>>
      %dma_start3A_233 = arith.constant 0 : i32
      %dma_start3A_234 = tpu.memref_slice %arg4[%add3A_225, %dma_start3A_233] : memref<819200x128xf32, #tpu.memory_space<hbm>> -> memref<128x128xf32, #tpu.memory_space<hbm>>
      %dma_start3A_235 = arith.constant 0 : i32
      %dma_start3A_236 = arith.constant 0 : i32
      %dma_start3A_237 = tpu.memref_slice %arg6[%dma_start3A_226, %dma_start3A_235, %dma_start3A_236] : memref<4x128x128xf32, #tpu.memory_space<vmem>> -> memref<1x128x128xf32, #tpu.memory_space<vmem>>
      %dma_start3A_238 = tpu.memref_squeeze %dma_start3A_237 : memref<1x128x128xf32, #tpu.memory_space<vmem>> -> memref<128x128xf32, #tpu.memory_space<vmem>>
      tpu.enqueue_dma source(%dma_start3A_238 : memref<128x128xf32, #tpu.memory_space<vmem>>) target(%dma_start3A_234 : memref<128x128xf32, #tpu.memory_space<hbm>>) target_semaphore(%arg13 : memref<!tpu.dma_semaphore, #tpu.memory_space<semaphore_mem>>)
      %dma_wait3A_239 = arith.constant 0 : i32
      %dma_wait3A_240 = arith.constant 0 : i32
      %dma_wait3A_241 = arith.constant 0 : i32
      %dma_wait3A_242 = tpu.memref_slice %arg6[%dma_wait3A_239, %dma_wait3A_240, %dma_wait3A_241] : memref<4x128x128xf32, #tpu.memory_space<vmem>> -> memref<1x128x128xf32, #tpu.memory_space<vmem>>
      %dma_wait3A_243 = tpu.memref_squeeze %dma_wait3A_242 : memref<1x128x128xf32, #tpu.memory_space<vmem>> -> memref<128x128xf32, #tpu.memory_space<vmem>>
      %dma_wait3A_244 = arith.constant 0 : i32
      %dma_wait3A_245 = tpu.memref_slice %arg4[%mul3A_2, %dma_wait3A_244] : memref<819200x128xf32, #tpu.memory_space<hbm>> -> memref<128x128xf32, #tpu.memory_space<hbm>>
      %dma_wait3A_246 = arith.constant 0 : i32
      %dma_wait3A_247 = tpu.memref_slice %arg4[%mul3A_2, %dma_wait3A_246] : memref<819200x128xf32, #tpu.memory_space<hbm>> -> memref<128x128xf32, #tpu.memory_space<hbm>>
      %dma_wait3A_248 = arith.constant 0 : i32
      %dma_wait3A_249 = arith.constant 0 : i32
      %dma_wait3A_250 = tpu.memref_slice %arg6[%dma_wait3A_239, %dma_wait3A_248, %dma_wait3A_249] : memref<4x128x128xf32, #tpu.memory_space<vmem>> -> memref<1x128x128xf32, #tpu.memory_space<vmem>>
      %dma_wait3A_251 = tpu.memref_squeeze %dma_wait3A_250 : memref<1x128x128xf32, #tpu.memory_space<vmem>> -> memref<128x128xf32, #tpu.memory_space<vmem>>
      tpu.wait_dma2 semaphore(%arg11 : memref<!tpu.dma_semaphore, #tpu.memory_space<semaphore_mem>>) src(%dma_wait3A_251 : memref<128x128xf32, #tpu.memory_space<vmem>>) dst(%dma_wait3A_247 : memref<128x128xf32, #tpu.memory_space<hbm>>)
      %add3A_252 = arith.constant 2 : i32
      %add3A_253 = arith.addi %add3A_211, %add3A_252 : i32
      %mul3A_254 = arith.constant 128 : i32
      %mul3A_255 = arith.muli %add3A_253, %mul3A_254 : i32
      %multiple_of3A_256 = tpu.assume_multiple %mul3A_255, 128 : i32
      %dma_start3A_257 = arith.constant 0 : i32
      %dma_start3A_258 = arith.constant 0 : i32
      %dma_start3A_259 = arith.constant 0 : i32
      %dma_start3A_260 = tpu.memref_slice %arg6[%dma_start3A_257, %dma_start3A_258, %dma_start3A_259] : memref<4x128x128xf32, #tpu.memory_space<vmem>> -> memref<1x128x128xf32, #tpu.memory_space<vmem>>
      %dma_start3A_261 = tpu.memref_squeeze %dma_start3A_260 : memref<1x128x128xf32, #tpu.memory_space<vmem>> -> memref<128x128xf32, #tpu.memory_space<vmem>>
      %dma_start3A_262 = tpu.memref_slice %arg5[%multiple_of3A_256] : memref<25600xi32, #tpu.memory_space<vmem>> -> memref<128xi32, #tpu.memory_space<vmem>>
      %dma_start3A_263 = arith.constant 0 : i32
      %dma_start3A_264 = arith.constant 0 : i32
      %dma_start3A_265 = tpu.memref_slice %arg2[%dma_start3A_263, %dma_start3A_264] : memref<100000x128xf32, #tpu.memory_space<hbm>> -> memref<100000x128xf32, #tpu.memory_space<hbm>>
      tpu.enqueue_indirect_dma source(%dma_start3A_265 : memref<100000x128xf32, #tpu.memory_space<hbm>>) target(%dma_start3A_261 : memref<128x128xf32, #tpu.memory_space<vmem>>) offsets(%dma_start3A_262 : memref<128xi32, #tpu.memory_space<vmem>>) semaphore(%arg7 : memref<!tpu.dma_semaphore, #tpu.memory_space<semaphore_mem>>)
      %mul3A_266 = arith.constant 4 : i32
      %mul3A_267 = arith.muli %scan3A_205, %mul3A_266 : i32
      %add3A_268 = arith.constant 2 : i32
      %add3A_269 = arith.addi %mul3A_267, %add3A_268 : i32
      %add3A_270 = arith.constant 1 : i32
      %add3A_271 = arith.addi %add3A_269, %add3A_270 : i32
      %dma_wait3A_272 = arith.constant 3 : i32
      %dma_wait3A_273 = arith.constant 0 : i32
      %dma_wait3A_274 = arith.constant 0 : i32
      %dma_wait3A_275 = tpu.memref_slice %arg6[%dma_wait3A_272, %dma_wait3A_273, %dma_wait3A_274] : memref<4x128x128xf32, #tpu.memory_space<vmem>> -> memref<1x128x128xf32, #tpu.memory_space<vmem>>
      %dma_wait3A_276 = tpu.memref_squeeze %dma_wait3A_275 : memref<1x128x128xf32, #tpu.memory_space<vmem>> -> memref<128x128xf32, #tpu.memory_space<vmem>>
      %dma_wait3A_277 = arith.constant 0 : i32
      %dma_wait3A_278 = tpu.memref_slice %arg5[%dma_wait3A_277] : memref<25600xi32, #tpu.memory_space<vmem>> -> memref<128xi32, #tpu.memory_space<vmem>>
      %dma_wait3A_279 = arith.constant 0 : i32
      %dma_wait3A_280 = arith.constant 0 : i32
      %dma_wait3A_281 = tpu.memref_slice %arg2[%dma_wait3A_279, %dma_wait3A_280] : memref<100000x128xf32, #tpu.memory_space<hbm>> -> memref<100000x128xf32, #tpu.memory_space<hbm>>
      tpu.wait_indirect_dma semaphore(%arg10 : memref<!tpu.dma_semaphore, #tpu.memory_space<semaphore_mem>>) src(%dma_wait3A_281 : memref<100000x128xf32, #tpu.memory_space<hbm>>) dst(%dma_wait3A_276 : memref<128x128xf32, #tpu.memory_space<vmem>>)
      %mul3A_282 = arith.constant 128 : i32
      %mul3A_283 = arith.muli %add3A_271, %mul3A_282 : i32
      %multiple_of3A_284 = tpu.assume_multiple %mul3A_283, 128 : i32
      %add3A_285 = arith.addi %mul3A_2, %multiple_of3A_284 : i32
      %dma_start3A_286 = arith.constant 3 : i32
      %dma_start3A_287 = arith.constant 0 : i32
      %dma_start3A_288 = arith.constant 0 : i32
      %dma_start3A_289 = tpu.memref_slice %arg6[%dma_start3A_286, %dma_start3A_287, %dma_start3A_288] : memref<4x128x128xf32, #tpu.memory_space<vmem>> -> memref<1x128x128xf32, #tpu.memory_space<vmem>>
      %dma_start3A_290 = tpu.memref_squeeze %dma_start3A_289 : memref<1x128x128xf32, #tpu.memory_space<vmem>> -> memref<128x128xf32, #tpu.memory_space<vmem>>
      %dma_start3A_291 = arith.constant 0 : i32
      %dma_start3A_292 = tpu.memref_slice %arg4[%add3A_285, %dma_start3A_291] : memref<819200x128xf32, #tpu.memory_space<hbm>> -> memref<128x128xf32, #tpu.memory_space<hbm>>
      %dma_start3A_293 = arith.constant 0 : i32
      %dma_start3A_294 = tpu.memref_slice %arg4[%add3A_285, %dma_start3A_293] : memref<819200x128xf32, #tpu.memory_space<hbm>> -> memref<128x128xf32, #tpu.memory_space<hbm>>
      %dma_start3A_295 = arith.constant 0 : i32
      %dma_start3A_296 = arith.constant 0 : i32
      %dma_start3A_297 = tpu.memref_slice %arg6[%dma_start3A_286, %dma_start3A_295, %dma_start3A_296] : memref<4x128x128xf32, #tpu.memory_space<vmem>> -> memref<1x128x128xf32, #tpu.memory_space<vmem>>
      %dma_start3A_298 = tpu.memref_squeeze %dma_start3A_297 : memref<1x128x128xf32, #tpu.memory_space<vmem>> -> memref<128x128xf32, #tpu.memory_space<vmem>>
      tpu.enqueue_dma source(%dma_start3A_298 : memref<128x128xf32, #tpu.memory_space<vmem>>) target(%dma_start3A_294 : memref<128x128xf32, #tpu.memory_space<hbm>>) target_semaphore(%arg14 : memref<!tpu.dma_semaphore, #tpu.memory_space<semaphore_mem>>)
      %dma_wait3A_299 = arith.constant 1 : i32
      %dma_wait3A_300 = arith.constant 0 : i32
      %dma_wait3A_301 = arith.constant 0 : i32
      %dma_wait3A_302 = tpu.memref_slice %arg6[%dma_wait3A_299, %dma_wait3A_300, %dma_wait3A_301] : memref<4x128x128xf32, #tpu.memory_space<vmem>> -> memref<1x128x128xf32, #tpu.memory_space<vmem>>
      %dma_wait3A_303 = tpu.memref_squeeze %dma_wait3A_302 : memref<1x128x128xf32, #tpu.memory_space<vmem>> -> memref<128x128xf32, #tpu.memory_space<vmem>>
      %dma_wait3A_304 = arith.constant 0 : i32
      %dma_wait3A_305 = tpu.memref_slice %arg4[%mul3A_2, %dma_wait3A_304] : memref<819200x128xf32, #tpu.memory_space<hbm>> -> memref<128x128xf32, #tpu.memory_space<hbm>>
      %dma_wait3A_306 = arith.constant 0 : i32
      %dma_wait3A_307 = tpu.memref_slice %arg4[%mul3A_2, %dma_wait3A_306] : memref<819200x128xf32, #tpu.memory_space<hbm>> -> memref<128x128xf32, #tpu.memory_space<hbm>>
      %dma_wait3A_308 = arith.constant 0 : i32
      %dma_wait3A_309 = arith.constant 0 : i32
      %dma_wait3A_310 = tpu.memref_slice %arg6[%dma_wait3A_299, %dma_wait3A_308, %dma_wait3A_309] : memref<4x128x128xf32, #tpu.memory_space<vmem>> -> memref<1x128x128xf32, #tpu.memory_space<vmem>>
      %dma_wait3A_311 = tpu.memref_squeeze %dma_wait3A_310 : memref<1x128x128xf32, #tpu.memory_space<vmem>> -> memref<128x128xf32, #tpu.memory_space<vmem>>
      tpu.wait_dma2 semaphore(%arg12 : memref<!tpu.dma_semaphore, #tpu.memory_space<semaphore_mem>>) src(%dma_wait3A_311 : memref<128x128xf32, #tpu.memory_space<vmem>>) dst(%dma_wait3A_307 : memref<128x128xf32, #tpu.memory_space<hbm>>)
      %add3A_312 = arith.constant 2 : i32
      %add3A_313 = arith.addi %add3A_271, %add3A_312 : i32
      %mul3A_314 = arith.constant 128 : i32
      %mul3A_315 = arith.muli %add3A_313, %mul3A_314 : i32
      %multiple_of3A_316 = tpu.assume_multiple %mul3A_315, 128 : i32
      %dma_start3A_317 = arith.constant 1 : i32
      %dma_start3A_318 = arith.constant 0 : i32
      %dma_start3A_319 = arith.constant 0 : i32
      %dma_start3A_320 = tpu.memref_slice %arg6[%dma_start3A_317, %dma_start3A_318, %dma_start3A_319] : memref<4x128x128xf32, #tpu.memory_space<vmem>> -> memref<1x128x128xf32, #tpu.memory_space<vmem>>
      %dma_start3A_321 = tpu.memref_squeeze %dma_start3A_320 : memref<1x128x128xf32, #tpu.memory_space<vmem>> -> memref<128x128xf32, #tpu.memory_space<vmem>>
      %dma_start3A_322 = tpu.memref_slice %arg5[%multiple_of3A_316] : memref<25600xi32, #tpu.memory_space<vmem>> -> memref<128xi32, #tpu.memory_space<vmem>>
      %dma_start3A_323 = arith.constant 0 : i32
      %dma_start3A_324 = arith.constant 0 : i32
      %dma_start3A_325 = tpu.memref_slice %arg2[%dma_start3A_323, %dma_start3A_324] : memref<100000x128xf32, #tpu.memory_space<hbm>> -> memref<100000x128xf32, #tpu.memory_space<hbm>>
      tpu.enqueue_indirect_dma source(%dma_start3A_325 : memref<100000x128xf32, #tpu.memory_space<hbm>>) target(%dma_start3A_321 : memref<128x128xf32, #tpu.memory_space<vmem>>) offsets(%dma_start3A_322 : memref<128xi32, #tpu.memory_space<vmem>>) semaphore(%arg8 : memref<!tpu.dma_semaphore, #tpu.memory_space<semaphore_mem>>)
      %mul3A_326 = arith.constant 4 : i32
      %mul3A_327 = arith.muli %scan3A_205, %mul3A_326 : i32
      %add3A_328 = arith.constant 2 : i32
      %add3A_329 = arith.addi %mul3A_327, %add3A_328 : i32
      %add3A_330 = arith.constant 2 : i32
      %add3A_331 = arith.addi %add3A_329, %add3A_330 : i32
      %dma_wait3A_332 = arith.constant 0 : i32
      %dma_wait3A_333 = arith.constant 0 : i32
      %dma_wait3A_334 = arith.constant 0 : i32
      %dma_wait3A_335 = tpu.memref_slice %arg6[%dma_wait3A_332, %dma_wait3A_333, %dma_wait3A_334] : memref<4x128x128xf32, #tpu.memory_space<vmem>> -> memref<1x128x128xf32, #tpu.memory_space<vmem>>
      %dma_wait3A_336 = tpu.memref_squeeze %dma_wait3A_335 : memref<1x128x128xf32, #tpu.memory_space<vmem>> -> memref<128x128xf32, #tpu.memory_space<vmem>>
      %dma_wait3A_337 = arith.constant 0 : i32
      %dma_wait3A_338 = tpu.memref_slice %arg5[%dma_wait3A_337] : memref<25600xi32, #tpu.memory_space<vmem>> -> memref<128xi32, #tpu.memory_space<vmem>>
      %dma_wait3A_339 = arith.constant 0 : i32
      %dma_wait3A_340 = arith.constant 0 : i32
      %dma_wait3A_341 = tpu.memref_slice %arg2[%dma_wait3A_339, %dma_wait3A_340] : memref<100000x128xf32, #tpu.memory_space<hbm>> -> memref<100000x128xf32, #tpu.memory_space<hbm>>
      tpu.wait_indirect_dma semaphore(%arg7 : memref<!tpu.dma_semaphore, #tpu.memory_space<semaphore_mem>>) src(%dma_wait3A_341 : memref<100000x128xf32, #tpu.memory_space<hbm>>) dst(%dma_wait3A_336 : memref<128x128xf32, #tpu.memory_space<vmem>>)
      %mul3A_342 = arith.constant 128 : i32
      %mul3A_343 = arith.muli %add3A_331, %mul3A_342 : i32
      %multiple_of3A_344 = tpu.assume_multiple %mul3A_343, 128 : i32
      %add3A_345 = arith.addi %mul3A_2, %multiple_of3A_344 : i32
      %dma_start3A_346 = arith.constant 0 : i32
      %dma_start3A_347 = arith.constant 0 : i32
      %dma_start3A_348 = arith.constant 0 : i32
      %dma_start3A_349 = tpu.memref_slice %arg6[%dma_start3A_346, %dma_start3A_347, %dma_start3A_348] : memref<4x128x128xf32, #tpu.memory_space<vmem>> -> memref<1x128x128xf32, #tpu.memory_space<vmem>>
      %dma_start3A_350 = tpu.memref_squeeze %dma_start3A_349 : memref<1x128x128xf32, #tpu.memory_space<vmem>> -> memref<128x128xf32, #tpu.memory_space<vmem>>
      %dma_start3A_351 = arith.constant 0 : i32
      %dma_start3A_352 = tpu.memref_slice %arg4[%add3A_345, %dma_start3A_351] : memref<819200x128xf32, #tpu.memory_space<hbm>> -> memref<128x128xf32, #tpu.memory_space<hbm>>
      %dma_start3A_353 = arith.constant 0 : i32
      %dma_start3A_354 = tpu.memref_slice %arg4[%add3A_345, %dma_start3A_353] : memref<819200x128xf32, #tpu.memory_space<hbm>> -> memref<128x128xf32, #tpu.memory_space<hbm>>
      %dma_start3A_355 = arith.constant 0 : i32
      %dma_start3A_356 = arith.constant 0 : i32
      %dma_start3A_357 = tpu.memref_slice %arg6[%dma_start3A_346, %dma_start3A_355, %dma_start3A_356] : memref<4x128x128xf32, #tpu.memory_space<vmem>> -> memref<1x128x128xf32, #tpu.memory_space<vmem>>
      %dma_start3A_358 = tpu.memref_squeeze %dma_start3A_357 : memref<1x128x128xf32, #tpu.memory_space<vmem>> -> memref<128x128xf32, #tpu.memory_space<vmem>>
      tpu.enqueue_dma source(%dma_start3A_358 : memref<128x128xf32, #tpu.memory_space<vmem>>) target(%dma_start3A_354 : memref<128x128xf32, #tpu.memory_space<hbm>>) target_semaphore(%arg11 : memref<!tpu.dma_semaphore, #tpu.memory_space<semaphore_mem>>)
      %dma_wait3A_359 = arith.constant 2 : i32
      %dma_wait3A_360 = arith.constant 0 : i32
      %dma_wait3A_361 = arith.constant 0 : i32
      %dma_wait3A_362 = tpu.memref_slice %arg6[%dma_wait3A_359, %dma_wait3A_360, %dma_wait3A_361] : memref<4x128x128xf32, #tpu.memory_space<vmem>> -> memref<1x128x128xf32, #tpu.memory_space<vmem>>
      %dma_wait3A_363 = tpu.memref_squeeze %dma_wait3A_362 : memref<1x128x128xf32, #tpu.memory_space<vmem>> -> memref<128x128xf32, #tpu.memory_space<vmem>>
      %dma_wait3A_364 = arith.constant 0 : i32
      %dma_wait3A_365 = tpu.memref_slice %arg4[%mul3A_2, %dma_wait3A_364] : memref<819200x128xf32, #tpu.memory_space<hbm>> -> memref<128x128xf32, #tpu.memory_space<hbm>>
      %dma_wait3A_366 = arith.constant 0 : i32
      %dma_wait3A_367 = tpu.memref_slice %arg4[%mul3A_2, %dma_wait3A_366] : memref<819200x128xf32, #tpu.memory_space<hbm>> -> memref<128x128xf32, #tpu.memory_space<hbm>>
      %dma_wait3A_368 = arith.constant 0 : i32
      %dma_wait3A_369 = arith.constant 0 : i32
      %dma_wait3A_370 = tpu.memref_slice %arg6[%dma_wait3A_359, %dma_wait3A_368, %dma_wait3A_369] : memref<4x128x128xf32, #tpu.memory_space<vmem>> -> memref<1x128x128xf32, #tpu.memory_space<vmem>>
      %dma_wait3A_371 = tpu.memref_squeeze %dma_wait3A_370 : memref<1x128x128xf32, #tpu.memory_space<vmem>> -> memref<128x128xf32, #tpu.memory_space<vmem>>
      tpu.wait_dma2 semaphore(%arg13 : memref<!tpu.dma_semaphore, #tpu.memory_space<semaphore_mem>>) src(%dma_wait3A_371 : memref<128x128xf32, #tpu.memory_space<vmem>>) dst(%dma_wait3A_367 : memref<128x128xf32, #tpu.memory_space<hbm>>)
      %add3A_372 = arith.constant 2 : i32
      %add3A_373 = arith.addi %add3A_331, %add3A_372 : i32
      %mul3A_374 = arith.constant 128 : i32
      %mul3A_375 = arith.muli %add3A_373, %mul3A_374 : i32
      %multiple_of3A_376 = tpu.assume_multiple %mul3A_375, 128 : i32
      %dma_start3A_377 = arith.constant 2 : i32
      %dma_start3A_378 = arith.constant 0 : i32
      %dma_start3A_379 = arith.constant 0 : i32
      %dma_start3A_380 = tpu.memref_slice %arg6[%dma_start3A_377, %dma_start3A_378, %dma_start3A_379] : memref<4x128x128xf32, #tpu.memory_space<vmem>> -> memref<1x128x128xf32, #tpu.memory_space<vmem>>
      %dma_start3A_381 = tpu.memref_squeeze %dma_start3A_380 : memref<1x128x128xf32, #tpu.memory_space<vmem>> -> memref<128x128xf32, #tpu.memory_space<vmem>>
      %dma_start3A_382 = tpu.memref_slice %arg5[%multiple_of3A_376] : memref<25600xi32, #tpu.memory_space<vmem>> -> memref<128xi32, #tpu.memory_space<vmem>>
      %dma_start3A_383 = arith.constant 0 : i32
      %dma_start3A_384 = arith.constant 0 : i32
      %dma_start3A_385 = tpu.memref_slice %arg2[%dma_start3A_383, %dma_start3A_384] : memref<100000x128xf32, #tpu.memory_space<hbm>> -> memref<100000x128xf32, #tpu.memory_space<hbm>>
      tpu.enqueue_indirect_dma source(%dma_start3A_385 : memref<100000x128xf32, #tpu.memory_space<hbm>>) target(%dma_start3A_381 : memref<128x128xf32, #tpu.memory_space<vmem>>) offsets(%dma_start3A_382 : memref<128xi32, #tpu.memory_space<vmem>>) semaphore(%arg9 : memref<!tpu.dma_semaphore, #tpu.memory_space<semaphore_mem>>)
      %mul3A_386 = arith.constant 4 : i32
      %mul3A_387 = arith.muli %scan3A_205, %mul3A_386 : i32
      %add3A_388 = arith.constant 2 : i32
      %add3A_389 = arith.addi %mul3A_387, %add3A_388 : i32
      %add3A_390 = arith.constant 3 : i32
      %add3A_391 = arith.addi %add3A_389, %add3A_390 : i32
      %dma_wait3A_392 = arith.constant 1 : i32
      %dma_wait3A_393 = arith.constant 0 : i32
      %dma_wait3A_394 = arith.constant 0 : i32
      %dma_wait3A_395 = tpu.memref_slice %arg6[%dma_wait3A_392, %dma_wait3A_393, %dma_wait3A_394] : memref<4x128x128xf32, #tpu.memory_space<vmem>> -> memref<1x128x128xf32, #tpu.memory_space<vmem>>
      %dma_wait3A_396 = tpu.memref_squeeze %dma_wait3A_395 : memref<1x128x128xf32, #tpu.memory_space<vmem>> -> memref<128x128xf32, #tpu.memory_space<vmem>>
      %dma_wait3A_397 = arith.constant 0 : i32
      %dma_wait3A_398 = tpu.memref_slice %arg5[%dma_wait3A_397] : memref<25600xi32, #tpu.memory_space<vmem>> -> memref<128xi32, #tpu.memory_space<vmem>>
      %dma_wait3A_399 = arith.constant 0 : i32
      %dma_wait3A_400 = arith.constant 0 : i32
      %dma_wait3A_401 = tpu.memref_slice %arg2[%dma_wait3A_399, %dma_wait3A_400] : memref<100000x128xf32, #tpu.memory_space<hbm>> -> memref<100000x128xf32, #tpu.memory_space<hbm>>
      tpu.wait_indirect_dma semaphore(%arg8 : memref<!tpu.dma_semaphore, #tpu.memory_space<semaphore_mem>>) src(%dma_wait3A_401 : memref<100000x128xf32, #tpu.memory_space<hbm>>) dst(%dma_wait3A_396 : memref<128x128xf32, #tpu.memory_space<vmem>>)
      %mul3A_402 = arith.constant 128 : i32
      %mul3A_403 = arith.muli %add3A_391, %mul3A_402 : i32
      %multiple_of3A_404 = tpu.assume_multiple %mul3A_403, 128 : i32
      %add3A_405 = arith.addi %mul3A_2, %multiple_of3A_404 : i32
      %dma_start3A_406 = arith.constant 1 : i32
      %dma_start3A_407 = arith.constant 0 : i32
      %dma_start3A_408 = arith.constant 0 : i32
      %dma_start3A_409 = tpu.memref_slice %arg6[%dma_start3A_406, %dma_start3A_407, %dma_start3A_408] : memref<4x128x128xf32, #tpu.memory_space<vmem>> -> memref<1x128x128xf32, #tpu.memory_space<vmem>>
      %dma_start3A_410 = tpu.memref_squeeze %dma_start3A_409 : memref<1x128x128xf32, #tpu.memory_space<vmem>> -> memref<128x128xf32, #tpu.memory_space<vmem>>
      %dma_start3A_411 = arith.constant 0 : i32
      %dma_start3A_412 = tpu.memref_slice %arg4[%add3A_405, %dma_start3A_411] : memref<819200x128xf32, #tpu.memory_space<hbm>> -> memref<128x128xf32, #tpu.memory_space<hbm>>
      %dma_start3A_413 = arith.constant 0 : i32
      %dma_start3A_414 = tpu.memref_slice %arg4[%add3A_405, %dma_start3A_413] : memref<819200x128xf32, #tpu.memory_space<hbm>> -> memref<128x128xf32, #tpu.memory_space<hbm>>
      %dma_start3A_415 = arith.constant 0 : i32
      %dma_start3A_416 = arith.constant 0 : i32
      %dma_start3A_417 = tpu.memref_slice %arg6[%dma_start3A_406, %dma_start3A_415, %dma_start3A_416] : memref<4x128x128xf32, #tpu.memory_space<vmem>> -> memref<1x128x128xf32, #tpu.memory_space<vmem>>
      %dma_start3A_418 = tpu.memref_squeeze %dma_start3A_417 : memref<1x128x128xf32, #tpu.memory_space<vmem>> -> memref<128x128xf32, #tpu.memory_space<vmem>>
      tpu.enqueue_dma source(%dma_start3A_418 : memref<128x128xf32, #tpu.memory_space<vmem>>) target(%dma_start3A_414 : memref<128x128xf32, #tpu.memory_space<hbm>>) target_semaphore(%arg12 : memref<!tpu.dma_semaphore, #tpu.memory_space<semaphore_mem>>)
      %dma_wait3A_419 = arith.constant 3 : i32
      %dma_wait3A_420 = arith.constant 0 : i32
      %dma_wait3A_421 = arith.constant 0 : i32
      %dma_wait3A_422 = tpu.memref_slice %arg6[%dma_wait3A_419, %dma_wait3A_420, %dma_wait3A_421] : memref<4x128x128xf32, #tpu.memory_space<vmem>> -> memref<1x128x128xf32, #tpu.memory_space<vmem>>
      %dma_wait3A_423 = tpu.memref_squeeze %dma_wait3A_422 : memref<1x128x128xf32, #tpu.memory_space<vmem>> -> memref<128x128xf32, #tpu.memory_space<vmem>>
      %dma_wait3A_424 = arith.constant 0 : i32
      %dma_wait3A_425 = tpu.memref_slice %arg4[%mul3A_2, %dma_wait3A_424] : memref<819200x128xf32, #tpu.memory_space<hbm>> -> memref<128x128xf32, #tpu.memory_space<hbm>>
      %dma_wait3A_426 = arith.constant 0 : i32
      %dma_wait3A_427 = tpu.memref_slice %arg4[%mul3A_2, %dma_wait3A_426] : memref<819200x128xf32, #tpu.memory_space<hbm>> -> memref<128x128xf32, #tpu.memory_space<hbm>>
      %dma_wait3A_428 = arith.constant 0 : i32
      %dma_wait3A_429 = arith.constant 0 : i32
      %dma_wait3A_430 = tpu.memref_slice %arg6[%dma_wait3A_419, %dma_wait3A_428, %dma_wait3A_429] : memref<4x128x128xf32, #tpu.memory_space<vmem>> -> memref<1x128x128xf32, #tpu.memory_space<vmem>>
      %dma_wait3A_431 = tpu.memref_squeeze %dma_wait3A_430 : memref<1x128x128xf32, #tpu.memory_space<vmem>> -> memref<128x128xf32, #tpu.memory_space<vmem>>
      tpu.wait_dma2 semaphore(%arg14 : memref<!tpu.dma_semaphore, #tpu.memory_space<semaphore_mem>>) src(%dma_wait3A_431 : memref<128x128xf32, #tpu.memory_space<vmem>>) dst(%dma_wait3A_427 : memref<128x128xf32, #tpu.memory_space<hbm>>)
      %add3A_432 = arith.constant 2 : i32
      %add3A_433 = arith.addi %add3A_391, %add3A_432 : i32
      %mul3A_434 = arith.constant 128 : i32
      %mul3A_435 = arith.muli %add3A_433, %mul3A_434 : i32
      %multiple_of3A_436 = tpu.assume_multiple %mul3A_435, 128 : i32
      %dma_start3A_437 = arith.constant 3 : i32
      %dma_start3A_438 = arith.constant 0 : i32
      %dma_start3A_439 = arith.constant 0 : i32
      %dma_start3A_440 = tpu.memref_slice %arg6[%dma_start3A_437, %dma_start3A_438, %dma_start3A_439] : memref<4x128x128xf32, #tpu.memory_space<vmem>> -> memref<1x128x128xf32, #tpu.memory_space<vmem>>
      %dma_start3A_441 = tpu.memref_squeeze %dma_start3A_440 : memref<1x128x128xf32, #tpu.memory_space<vmem>> -> memref<128x128xf32, #tpu.memory_space<vmem>>
      %dma_start3A_442 = tpu.memref_slice %arg5[%multiple_of3A_436] : memref<25600xi32, #tpu.memory_space<vmem>> -> memref<128xi32, #tpu.memory_space<vmem>>
      %dma_start3A_443 = arith.constant 0 : i32
      %dma_start3A_444 = arith.constant 0 : i32
      %dma_start3A_445 = tpu.memref_slice %arg2[%dma_start3A_443, %dma_start3A_444] : memref<100000x128xf32, #tpu.memory_space<hbm>> -> memref<100000x128xf32, #tpu.memory_space<hbm>>
      tpu.enqueue_indirect_dma source(%dma_start3A_445 : memref<100000x128xf32, #tpu.memory_space<hbm>>) target(%dma_start3A_441 : memref<128x128xf32, #tpu.memory_space<vmem>>) offsets(%dma_start3A_442 : memref<128xi32, #tpu.memory_space<vmem>>) semaphore(%arg10 : memref<!tpu.dma_semaphore, #tpu.memory_space<semaphore_mem>>)
    }
    %scan3A_100 = arith.constant 49 : i32
    %dma_wait3A_101 = arith.constant 2 : i32
    %dma_wait3A_102 = arith.constant 0 : i32
    %dma_wait3A_103 = arith.constant 0 : i32
    %dma_wait3A_104 = tpu.memref_slice %arg6[%dma_wait3A_101, %dma_wait3A_102, %dma_wait3A_103] : memref<4x128x128xf32, #tpu.memory_space<vmem>> -> memref<1x128x128xf32, #tpu.memory_space<vmem>>
    %dma_wait3A_105 = tpu.memref_squeeze %dma_wait3A_104 : memref<1x128x128xf32, #tpu.memory_space<vmem>> -> memref<128x128xf32, #tpu.memory_space<vmem>>
    %dma_wait3A_106 = arith.constant 0 : i32
    %dma_wait3A_107 = tpu.memref_slice %arg5[%dma_wait3A_106] : memref<25600xi32, #tpu.memory_space<vmem>> -> memref<128xi32, #tpu.memory_space<vmem>>
    %dma_wait3A_108 = arith.constant 0 : i32
    %dma_wait3A_109 = arith.constant 0 : i32
    %dma_wait3A_110 = tpu.memref_slice %arg2[%dma_wait3A_108, %dma_wait3A_109] : memref<100000x128xf32, #tpu.memory_space<hbm>> -> memref<100000x128xf32, #tpu.memory_space<hbm>>
    tpu.wait_indirect_dma semaphore(%arg9 : memref<!tpu.dma_semaphore, #tpu.memory_space<semaphore_mem>>) src(%dma_wait3A_110 : memref<100000x128xf32, #tpu.memory_space<hbm>>) dst(%dma_wait3A_105 : memref<128x128xf32, #tpu.memory_space<vmem>>)
    %multiple_of3A_111 = arith.constant 25344 : i32
    %multiple_of3A_112 = tpu.assume_multiple %multiple_of3A_111, 128 : i32
    %add3A_113 = arith.addi %mul3A_2, %multiple_of3A_112 : i32
    %dma_start3A_114 = arith.constant 2 : i32
    %dma_start3A_115 = arith.constant 0 : i32
    %dma_start3A_116 = arith.constant 0 : i32
    %dma_start3A_117 = tpu.memref_slice %arg6[%dma_start3A_114, %dma_start3A_115, %dma_start3A_116] : memref<4x128x128xf32, #tpu.memory_space<vmem>> -> memref<1x128x128xf32, #tpu.memory_space<vmem>>
    %dma_start3A_118 = tpu.memref_squeeze %dma_start3A_117 : memref<1x128x128xf32, #tpu.memory_space<vmem>> -> memref<128x128xf32, #tpu.memory_space<vmem>>
    %dma_start3A_119 = arith.constant 0 : i32
    %dma_start3A_120 = tpu.memref_slice %arg4[%add3A_113, %dma_start3A_119] : memref<819200x128xf32, #tpu.memory_space<hbm>> -> memref<128x128xf32, #tpu.memory_space<hbm>>
    %dma_start3A_121 = arith.constant 0 : i32
    %dma_start3A_122 = tpu.memref_slice %arg4[%add3A_113, %dma_start3A_121] : memref<819200x128xf32, #tpu.memory_space<hbm>> -> memref<128x128xf32, #tpu.memory_space<hbm>>
    %dma_start3A_123 = arith.constant 0 : i32
    %dma_start3A_124 = arith.constant 0 : i32
    %dma_start3A_125 = tpu.memref_slice %arg6[%dma_start3A_114, %dma_start3A_123, %dma_start3A_124] : memref<4x128x128xf32, #tpu.memory_space<vmem>> -> memref<1x128x128xf32, #tpu.memory_space<vmem>>
    %dma_start3A_126 = tpu.memref_squeeze %dma_start3A_125 : memref<1x128x128xf32, #tpu.memory_space<vmem>> -> memref<128x128xf32, #tpu.memory_space<vmem>>
    tpu.enqueue_dma source(%dma_start3A_126 : memref<128x128xf32, #tpu.memory_space<vmem>>) target(%dma_start3A_122 : memref<128x128xf32, #tpu.memory_space<hbm>>) target_semaphore(%arg13 : memref<!tpu.dma_semaphore, #tpu.memory_space<semaphore_mem>>)
    %dma_wait3A_127 = arith.constant 3 : i32
    %dma_wait3A_128 = arith.constant 0 : i32
    %dma_wait3A_129 = arith.constant 0 : i32
    %dma_wait3A_130 = tpu.memref_slice %arg6[%dma_wait3A_127, %dma_wait3A_128, %dma_wait3A_129] : memref<4x128x128xf32, #tpu.memory_space<vmem>> -> memref<1x128x128xf32, #tpu.memory_space<vmem>>
    %dma_wait3A_131 = tpu.memref_squeeze %dma_wait3A_130 : memref<1x128x128xf32, #tpu.memory_space<vmem>> -> memref<128x128xf32, #tpu.memory_space<vmem>>
    %dma_wait3A_132 = arith.constant 0 : i32
    %dma_wait3A_133 = tpu.memref_slice %arg5[%dma_wait3A_132] : memref<25600xi32, #tpu.memory_space<vmem>> -> memref<128xi32, #tpu.memory_space<vmem>>
    %dma_wait3A_134 = arith.constant 0 : i32
    %dma_wait3A_135 = arith.constant 0 : i32
    %dma_wait3A_136 = tpu.memref_slice %arg2[%dma_wait3A_134, %dma_wait3A_135] : memref<100000x128xf32, #tpu.memory_space<hbm>> -> memref<100000x128xf32, #tpu.memory_space<hbm>>
    tpu.wait_indirect_dma semaphore(%arg10 : memref<!tpu.dma_semaphore, #tpu.memory_space<semaphore_mem>>) src(%dma_wait3A_136 : memref<100000x128xf32, #tpu.memory_space<hbm>>) dst(%dma_wait3A_131 : memref<128x128xf32, #tpu.memory_space<vmem>>)
    %multiple_of3A_137 = arith.constant 25472 : i32
    %multiple_of3A_138 = tpu.assume_multiple %multiple_of3A_137, 128 : i32
    %add3A_139 = arith.addi %mul3A_2, %multiple_of3A_138 : i32
    %dma_start3A_140 = arith.constant 3 : i32
    %dma_start3A_141 = arith.constant 0 : i32
    %dma_start3A_142 = arith.constant 0 : i32
    %dma_start3A_143 = tpu.memref_slice %arg6[%dma_start3A_140, %dma_start3A_141, %dma_start3A_142] : memref<4x128x128xf32, #tpu.memory_space<vmem>> -> memref<1x128x128xf32, #tpu.memory_space<vmem>>
    %dma_start3A_144 = tpu.memref_squeeze %dma_start3A_143 : memref<1x128x128xf32, #tpu.memory_space<vmem>> -> memref<128x128xf32, #tpu.memory_space<vmem>>
    %dma_start3A_145 = arith.constant 0 : i32
    %dma_start3A_146 = tpu.memref_slice %arg4[%add3A_139, %dma_start3A_145] : memref<819200x128xf32, #tpu.memory_space<hbm>> -> memref<128x128xf32, #tpu.memory_space<hbm>>
    %dma_start3A_147 = arith.constant 0 : i32
    %dma_start3A_148 = tpu.memref_slice %arg4[%add3A_139, %dma_start3A_147] : memref<819200x128xf32, #tpu.memory_space<hbm>> -> memref<128x128xf32, #tpu.memory_space<hbm>>
    %dma_start3A_149 = arith.constant 0 : i32
    %dma_start3A_150 = arith.constant 0 : i32
    %dma_start3A_151 = tpu.memref_slice %arg6[%dma_start3A_140, %dma_start3A_149, %dma_start3A_150] : memref<4x128x128xf32, #tpu.memory_space<vmem>> -> memref<1x128x128xf32, #tpu.memory_space<vmem>>
    %dma_start3A_152 = tpu.memref_squeeze %dma_start3A_151 : memref<1x128x128xf32, #tpu.memory_space<vmem>> -> memref<128x128xf32, #tpu.memory_space<vmem>>
    tpu.enqueue_dma source(%dma_start3A_152 : memref<128x128xf32, #tpu.memory_space<vmem>>) target(%dma_start3A_148 : memref<128x128xf32, #tpu.memory_space<hbm>>) target_semaphore(%arg14 : memref<!tpu.dma_semaphore, #tpu.memory_space<semaphore_mem>>)
    %dma_wait3A_153 = arith.constant 0 : i32
    %dma_wait3A_154 = arith.constant 0 : i32
    %dma_wait3A_155 = arith.constant 0 : i32
    %dma_wait3A_156 = tpu.memref_slice %arg6[%dma_wait3A_153, %dma_wait3A_154, %dma_wait3A_155] : memref<4x128x128xf32, #tpu.memory_space<vmem>> -> memref<1x128x128xf32, #tpu.memory_space<vmem>>
    %dma_wait3A_157 = tpu.memref_squeeze %dma_wait3A_156 : memref<1x128x128xf32, #tpu.memory_space<vmem>> -> memref<128x128xf32, #tpu.memory_space<vmem>>
    %dma_wait3A_158 = arith.constant 0 : i32
    %dma_wait3A_159 = tpu.memref_slice %arg4[%mul3A_2, %dma_wait3A_158] : memref<819200x128xf32, #tpu.memory_space<hbm>> -> memref<128x128xf32, #tpu.memory_space<hbm>>
    %dma_wait3A_160 = arith.constant 0 : i32
    %dma_wait3A_161 = tpu.memref_slice %arg4[%mul3A_2, %dma_wait3A_160] : memref<819200x128xf32, #tpu.memory_space<hbm>> -> memref<128x128xf32, #tpu.memory_space<hbm>>
    %dma_wait3A_162 = arith.constant 0 : i32
    %dma_wait3A_163 = arith.constant 0 : i32
    %dma_wait3A_164 = tpu.memref_slice %arg6[%dma_wait3A_153, %dma_wait3A_162, %dma_wait3A_163] : memref<4x128x128xf32, #tpu.memory_space<vmem>> -> memref<1x128x128xf32, #tpu.memory_space<vmem>>
    %dma_wait3A_165 = tpu.memref_squeeze %dma_wait3A_164 : memref<1x128x128xf32, #tpu.memory_space<vmem>> -> memref<128x128xf32, #tpu.memory_space<vmem>>
    tpu.wait_dma2 semaphore(%arg11 : memref<!tpu.dma_semaphore, #tpu.memory_space<semaphore_mem>>) src(%dma_wait3A_165 : memref<128x128xf32, #tpu.memory_space<vmem>>) dst(%dma_wait3A_161 : memref<128x128xf32, #tpu.memory_space<hbm>>)
    %dma_wait3A_166 = arith.constant 1 : i32
    %dma_wait3A_167 = arith.constant 0 : i32
    %dma_wait3A_168 = arith.constant 0 : i32
    %dma_wait3A_169 = tpu.memref_slice %arg6[%dma_wait3A_166, %dma_wait3A_167, %dma_wait3A_168] : memref<4x128x128xf32, #tpu.memory_space<vmem>> -> memref<1x128x128xf32, #tpu.memory_space<vmem>>
    %dma_wait3A_170 = tpu.memref_squeeze %dma_wait3A_169 : memref<1x128x128xf32, #tpu.memory_space<vmem>> -> memref<128x128xf32, #tpu.memory_space<vmem>>
    %dma_wait3A_171 = arith.constant 0 : i32
    %dma_wait3A_172 = tpu.memref_slice %arg4[%mul3A_2, %dma_wait3A_171] : memref<819200x128xf32, #tpu.memory_space<hbm>> -> memref<128x128xf32, #tpu.memory_space<hbm>>
    %dma_wait3A_173 = arith.constant 0 : i32
    %dma_wait3A_174 = tpu.memref_slice %arg4[%mul3A_2, %dma_wait3A_173] : memref<819200x128xf32, #tpu.memory_space<hbm>> -> memref<128x128xf32, #tpu.memory_space<hbm>>
    %dma_wait3A_175 = arith.constant 0 : i32
    %dma_wait3A_176 = arith.constant 0 : i32
    %dma_wait3A_177 = tpu.memref_slice %arg6[%dma_wait3A_166, %dma_wait3A_175, %dma_wait3A_176] : memref<4x128x128xf32, #tpu.memory_space<vmem>> -> memref<1x128x128xf32, #tpu.memory_space<vmem>>
    %dma_wait3A_178 = tpu.memref_squeeze %dma_wait3A_177 : memref<1x128x128xf32, #tpu.memory_space<vmem>> -> memref<128x128xf32, #tpu.memory_space<vmem>>
    tpu.wait_dma2 semaphore(%arg12 : memref<!tpu.dma_semaphore, #tpu.memory_space<semaphore_mem>>) src(%dma_wait3A_178 : memref<128x128xf32, #tpu.memory_space<vmem>>) dst(%dma_wait3A_174 : memref<128x128xf32, #tpu.memory_space<hbm>>)
    %dma_wait3A_179 = arith.constant 2 : i32
    %dma_wait3A_180 = arith.constant 0 : i32
    %dma_wait3A_181 = arith.constant 0 : i32
    %dma_wait3A_182 = tpu.memref_slice %arg6[%dma_wait3A_179, %dma_wait3A_180, %dma_wait3A_181] : memref<4x128x128xf32, #tpu.memory_space<vmem>> -> memref<1x128x128xf32, #tpu.memory_space<vmem>>
    %dma_wait3A_183 = tpu.memref_squeeze %dma_wait3A_182 : memref<1x128x128xf32, #tpu.memory_space<vmem>> -> memref<128x128xf32, #tpu.memory_space<vmem>>
    %dma_wait3A_184 = arith.constant 0 : i32
    %dma_wait3A_185 = tpu.memref_slice %arg4[%mul3A_2, %dma_wait3A_184] : memref<819200x128xf32, #tpu.memory_space<hbm>> -> memref<128x128xf32, #tpu.memory_space<hbm>>
    %dma_wait3A_186 = arith.constant 0 : i32
    %dma_wait3A_187 = tpu.memref_slice %arg4[%mul3A_2, %dma_wait3A_186] : memref<819200x128xf32, #tpu.memory_space<hbm>> -> memref<128x128xf32, #tpu.memory_space<hbm>>
    %dma_wait3A_188 = arith.constant 0 : i32
    %dma_wait3A_189 = arith.constant 0 : i32
    %dma_wait3A_190 = tpu.memref_slice %arg6[%dma_wait3A_179, %dma_wait3A_188, %dma_wait3A_189] : memref<4x128x128xf32, #tpu.memory_space<vmem>> -> memref<1x128x128xf32, #tpu.memory_space<vmem>>
    %dma_wait3A_191 = tpu.memref_squeeze %dma_wait3A_190 : memref<1x128x128xf32, #tpu.memory_space<vmem>> -> memref<128x128xf32, #tpu.memory_space<vmem>>
    tpu.wait_dma2 semaphore(%arg13 : memref<!tpu.dma_semaphore, #tpu.memory_space<semaphore_mem>>) src(%dma_wait3A_191 : memref<128x128xf32, #tpu.memory_space<vmem>>) dst(%dma_wait3A_187 : memref<128x128xf32, #tpu.memory_space<hbm>>)
    %dma_wait3A_192 = arith.constant 3 : i32
    %dma_wait3A_193 = arith.constant 0 : i32
    %dma_wait3A_194 = arith.constant 0 : i32
    %dma_wait3A_195 = tpu.memref_slice %arg6[%dma_wait3A_192, %dma_wait3A_193, %dma_wait3A_194] : memref<4x128x128xf32, #tpu.memory_space<vmem>> -> memref<1x128x128xf32, #tpu.memory_space<vmem>>
    %dma_wait3A_196 = tpu.memref_squeeze %dma_wait3A_195 : memref<1x128x128xf32, #tpu.memory_space<vmem>> -> memref<128x128xf32, #tpu.memory_space<vmem>>
    %dma_wait3A_197 = arith.constant 0 : i32
    %dma_wait3A_198 = tpu.memref_slice %arg4[%mul3A_2, %dma_wait3A_197] : memref<819200x128xf32, #tpu.memory_space<hbm>> -> memref<128x128xf32, #tpu.memory_space<hbm>>
    %dma_wait3A_199 = arith.constant 0 : i32
    %dma_wait3A_200 = tpu.memref_slice %arg4[%mul3A_2, %dma_wait3A_199] : memref<819200x128xf32, #tpu.memory_space<hbm>> -> memref<128x128xf32, #tpu.memory_space<hbm>>
    %dma_wait3A_201 = arith.constant 0 : i32
    %dma_wait3A_202 = arith.constant 0 : i32
    %dma_wait3A_203 = tpu.memref_slice %arg6[%dma_wait3A_192, %dma_wait3A_201, %dma_wait3A_202] : memref<4x128x128xf32, #tpu.memory_space<vmem>> -> memref<1x128x128xf32, #tpu.memory_space<vmem>>
    %dma_wait3A_204 = tpu.memref_squeeze %dma_wait3A_203 : memref<1x128x128xf32, #tpu.memory_space<vmem>> -> memref<128x128xf32, #tpu.memory_space<vmem>>
    tpu.wait_dma2 semaphore(%arg14 : memref<!tpu.dma_semaphore, #tpu.memory_space<semaphore_mem>>) src(%dma_wait3A_204 : memref<128x128xf32, #tpu.memory_space<vmem>>) dst(%dma_wait3A_200 : memref<128x128xf32, #tpu.memory_space<hbm>>)
    return
  }
}

module attributes {stable_mosaic.version = 14 : i64} {
  func.func @_fuse_body(%arg0: i32, %arg1: memref<10000x128xf32, #tpu.memory_space<vmem>>, %arg2: memref<10000x128xf32, #tpu.memory_space<vmem>>, %arg3: memref<10000x128xf32, #tpu.memory_space<vmem>>) attributes {dimension_semantics = [#tpu.dimension_semantics<arbitrary>], iteration_bounds = array<i64: 10>, scalar_prefetch = 0 : i64, scratch_operands = 0 : i64, tpu.core_type = #tpu.core_type<tc>, window_params = [{transform_indices = @transform_0, window_bounds = array<i64: 10000, 128>}, {transform_indices = @transform_1, window_bounds = array<i64: 10000, 128>}, {transform_indices = @transform_2, window_bounds = array<i64: 10000, 128>}]} {
    %get3A = arith.constant 0 : index
    %get3A_0 = arith.constant 0 : index
    %get3A_1 = vector.load %arg1[%get3A, %get3A_0] : memref<10000x128xf32, #tpu.memory_space<vmem>>, vector<10000x128xf32>
    %get3A_2 = arith.constant 0 : index
    %get3A_3 = arith.constant 0 : index
    %get3A_4 = vector.load %arg2[%get3A_2, %get3A_3] : memref<10000x128xf32, #tpu.memory_space<vmem>>, vector<10000x128xf32>
    %add3A = arith.addf %get3A_1, %get3A_4 : vector<10000x128xf32>
    %swap3A = arith.constant 0 : index
    %swap3A_5 = arith.constant 0 : index
    %swap3A_6 = vector.load %arg3[%swap3A, %swap3A_5] : memref<10000x128xf32, #tpu.memory_space<vmem>>, vector<10000x128xf32>
    tpu.vector_store %arg3[%swap3A, %swap3A_5], %add3A {strides = array<i32>} : memref<10000x128xf32, #tpu.memory_space<vmem>>, vector<10000x128xf32>,
    return
  }
  func.func @transform_0(%arg0: i32) -> (i32, i32) {
    %c0_i32 = arith.constant 0 : i32
    %c0_i32_0 = arith.constant 0 : i32
    return %arg0, %c0_i32 : i32, i32
  }
  func.func @transform_1(%arg0: i32) -> (i32, i32) {
    %c0_i32 = arith.constant 0 : i32
    %c0_i32_0 = arith.constant 0 : i32
    return %arg0, %c0_i32 : i32, i32
  }
  func.func @transform_2(%arg0: i32) -> (i32, i32) {
    %c0_i32 = arith.constant 0 : i32
    %c0_i32_0 = arith.constant 0 : i32
    return %arg0, %c0_i32 : i32, i32
  }
}

</mosaic_0001>

<sc_bundles>
// kernel: kernel.4.cloned.1.call-start
scs
__scs_entry_jumppad:
0x0: {  	(pc) =	sbr.rel $0x88, $3  }
0x1: {  	(tag) =	ssettag $0x0;
	lr =	simm.s32 $0x1  }
0x2: {  	[smem:$0x3F9E] =	sst lr;
	_ =	strace $0xD0000000  }
0x3: {  	_ = 	snop  }
0x4: {  	_ = 	snop  }
0x5: {  	_ = 	snop  }
0x6: {  	_ = 	snop  }
0x7: {  	_ = 	snop  }
__scs_overlays_trampoline_lowered:
0x8: {  	[smem:$0x3FAD] =	sst s0  }
0x9: {  	[smem:$0x3FAE] =	sst s1  }
0xa: {  	[smem:$0x3FAF] =	sst s2  }
0xb: {  	[smem:$0x3FB0] =	sst s3  }
0xc: {  	[smem:$0x3FB1] =	sst s4  }
0xd: {  	[smem:$0x3FB2] =	sst s5  }
0xe: {  	[smem:$0x3FB3] =	sst s6  }
0xf: {  	[smem:$0x3FB4] =	sst s7  }
0x10: {  	[smem:$0x3FB5] =	sst s8  }
0x11: {  	[smem:$0x3FB6] =	sst s9;
	s0 =	simm.s32 @!p0 $0x0  }
0x12: {  	s1 =	sld [smem:$0x3F9C];
	s0 =	simm.s32 @p0 $0x1  }
0x13: {  	[smem:$0x3FB7] =	sst s0;
	s0 =	simm.s32 @!p1 $0x0  }
0x14: {  	s2 =	sld [smem:$0x3F9B];
	s0 =	simm.s32 @p1 $0x1  }
0x15: {  	[smem:$0x3FB8] =	sst s0;
	s0 =	simm.s32 @!p2 $0x0  }
0x16: {  	s3 =	sld [smem:$0x3FDB];
	s0 =	simm.s32 @p2 $0x1  }
0x17: {  	s4 =	simm.s32 $0x1BF5;
	[smem:$0x3FBA] =	sst s0  }
0x18: {  	s0 =	sld [smem:$0x3F9D];
	_ =	swait.ge [sflag:s4], $0x0  }
0x19: {  	s7 =	sld [smem:$0x3F9E]  }
0x1a: {  	s8 =	sadd.s32 $0xFFFFE003, lr  }
0x1b: {  	s9 =	sadd.s32 $0xFFFFFEF7, lr;
	s5 =	simm.s32 $0xFFFFFFFF;
	p2 =	slt.u32 s8, $0xFFFFF086  }
0x1c: {  	p1 =	slt.u32 s9, $0xF7A;
	s5 =	simm.s32 @!p2 $0x0  }
0x1d: {  	s5 =	simm.s32 @p1 $0x1;
	p0 =	seq.s32 s7, s2  }
0x1e: {  	s7 =	smul.u32 @!p0 $0xF7A, s2;
	p2 =	seq.s32 @!p0 s5, $0x0  }
0x1f: {  	s9 =	smul.u32 $0xF7A, s1;
	s8 =	simm.s32 @!p0 $0x1BF5;
	p2 =	por !p2, p0  }
0x20: {  	[sflag:s8] =	ssyncset.s32 @!p0 $0xFFFFF086;
	s6 =	sadd.s32 @!p0 s3, s7;
	s7 =	simm.s32 @!p0 $0x108  }
0x21: {  	s3 =	sadd.s32 s3, s9;
	s6 =	sadd.s32 @!p0 $0x88, s6;
	s7 =	simm.s32 @p2 $0x1082  }
0x22: {  	[simem:s7], [sflag:s8] =	dma.local @!p0 [hbm:s6], $0xF7A  }
0x23: {  	s9 =	sor.u32 $0xD0000000, s2;
	s6 =	simm.s32 $0x108;
	_ =	swait.ge @!p0 [sflag:s8], $0x0  }
0x24: {  	s3 =	sadd.s32 $0x88, s3;
	s6 =	simm.s32 @!p1 $0x1082;
	[sflag:s4] =	ssyncset.s32 $0xFFFFF086  }
0x25: {  	[simem:s6], [sflag:s4] =	dma.local [hbm:s3], $0xF7A  }
0x26: {  	[smem:$0x3F9E] =	sst s1;
	(tag) =	ssettag s2;
	_ =	strace s9  }
0x27: {  	s1 =	sld [smem:$0x3FAE]  }
0x28: {  	s2 =	sld [smem:$0x3FAF]  }
0x29: {  	s4 =	sld [smem:$0x3FB1]  }
0x2a: {  	p0 =	seq.s32 s5, $0x0;
	s5 =	sld [smem:$0x3FB2]  }
0x2b: {  	s6 =	sld [smem:$0x3FB3]  }
0x2c: {  	s7 =	sld [smem:$0x3FB4]  }
0x2d: {  	s3 =	simm.s32 $0x108;
	s8 =	sld [smem:$0x3FB5]  }
0x2e: {  	s3 =	simm.s32 @!p0 $0x1082;
	s9 =	sld [smem:$0x3FB6]  }
0x2f: {  	lr =	sadd.s32 s0, s3;
	s0 =	sld [smem:$0x3FAD]  }
0x30: {  	s3 =	sld [smem:$0x3FB0]  }
0x31: {  	[smem:$0x3FB9] =	sst s10  }
0x32: {  	s10 =	sld [smem:$0x3FB7];
	_ =	sdelay $0x3  }
0x33: {  	p0 =	seq.s32 s10, $0x1;
	s10 =	sld [smem:$0x3FB9];
	_ =	sdelay $0x3  }
0x34: {  	[smem:$0x3FB9] =	sst s10  }
0x35: {  	s10 =	sld [smem:$0x3FB8];
	_ =	sdelay $0x3  }
0x36: {  	p1 =	seq.s32 s10, $0x1;
	s10 =	sld [smem:$0x3FB9];
	_ =	sdelay $0x3  }
0x37: {  	[smem:$0x3FB9] =	sst s10  }
0x38: {  	s10 =	sld [smem:$0x3FBA]  }
0x39: {  	_ = 	snop;
	(pc) =	sbr.ind lr, $3  }
0x3a: {  	_ = 	snop  }
0x3b: {  	_ = 	snop  }
0x3c: {  	p2 =	seq.s32 s10, $0x1;
	s10 =	sld [smem:$0x3FB9]  }
0x3d: {  	_ =	shalt  }
0x3e: {  	_ =	shalt  }
0x3f: {  	_ =	shalt  }
0x40: {  	_ =	shalt  }
0x41: {  	_ =	shalt  }
0x42: {  	_ =	shalt  }
0x43: {  	_ =	shalt  }
0x44: {  	_ =	shalt  }
0x45: {  	_ =	shalt  }
0x46: {  	_ =	shalt  }
0x47: {  	_ =	shalt  }
0x48: {  	_ =	shalt  }
0x49: {  	_ =	shalt  }
0x4a: {  	_ =	shalt  }
0x4b: {  	_ =	shalt  }
0x4c: {  	_ =	shalt  }
0x4d: {  	_ =	shalt  }
0x4e: {  	_ =	shalt  }
0x4f: {  	_ =	shalt  }
0x50: {  	_ =	shalt  }
0x51: {  	_ =	shalt  }
0x52: {  	_ =	shalt  }
0x53: {  	_ =	shalt  }
0x54: {  	_ =	shalt  }
0x55: {  	_ =	shalt  }
0x56: {  	_ =	shalt  }
0x57: {  	_ =	shalt  }
0x58: {  	_ =	shalt  }
0x59: {  	_ =	shalt  }
0x5a: {  	_ =	shalt  }
0x5b: {  	_ =	shalt  }
0x5c: {  	_ =	shalt  }
0x5d: {  	_ =	shalt  }
0x5e: {  	_ =	shalt  }
0x5f: {  	_ =	shalt  }
0x60: {  	_ =	shalt  }
0x61: {  	_ =	shalt  }
0x62: {  	_ =	shalt  }
0x63: {  	_ =	shalt  }
0x64: {  	_ =	shalt  }
0x65: {  	_ =	shalt  }
0x66: {  	_ =	shalt  }
0x67: {  	_ =	shalt  }
0x68: {  	_ =	shalt  }
0x69: {  	_ =	shalt  }
0x6a: {  	_ =	shalt  }
0x6b: {  	_ =	shalt  }
0x6c: {  	_ =	shalt  }
0x6d: {  	_ =	shalt  }
0x6e: {  	_ =	shalt  }
0x6f: {  	_ =	shalt  }
0x70: {  	_ =	shalt  }
0x71: {  	_ =	shalt  }
0x72: {  	_ =	shalt  }
0x73: {  	_ =	shalt  }
0x74: {  	_ =	shalt  }
0x75: {  	_ =	shalt  }
0x76: {  	_ =	shalt  }
0x77: {  	_ =	shalt  }
0x78: {  	_ =	shalt  }
0x79: {  	_ =	shalt  }
0x7a: {  	_ =	shalt  }
0x7b: {  	_ =	shalt  }
0x7c: {  	_ =	shalt  }
0x7d: {  	_ =	shalt  }
0x7e: {  	_ =	shalt  }
0x7f: {  	_ =	shalt  }
0x80: {  	_ =	shalt  }
0x81: {  	_ =	shalt  }
0x82: {  	_ =	shalt  }
0x83: {  	_ =	shalt  }
0x84: {  	_ =	shalt  }
0x85: {  	_ =	shalt  }
0x86: {  	_ =	shalt  }
0x87: {  	_ =	shalt  }
.Lfunc_end0:
.L_simem_size_0:
called_computation_lowered:
.L_overlay_start_0:
0x88: {  	s2 =	sld [smem:$0x3FD9]  }
0x89: {  	s3 =	sld [smem:$0x3FFE];
	_ =	sdelay $0x1  }
0x8a: {  	s1 =	srdreg.scid  }
0x8b: {  	s0 =	sand.u32 $0x1, s1  }
0x8c: {  	s17 =	sshll.u32 s0, $0xA;
	s2 =	sadd.s32 s3, s2  }
0x8d: {  	s2 =	sadd.s32 s2, s17  }
0x8e: {  	[smem:$0x3FC5] =	sst s2  }
0x8f: {  	_ = 	snop  }
0x90: {  	s2 =	sld [smem:$0x3FD0];
	(tm) =	ssettm $0x1  }
0x91: {  	s18 =	sld [smem:$0x3FFB];
	_ =	sdelay $0x3  }
0x92: {  	_ =	strace s18  }
0x93: {  	s3 =	sld [smem:$0x3FFC];
	_ =	sdelay $0x3  }
0x94: {  	_ =	strace s3  }
0x95: {  	s3 =	sld [smem:$0x3FFD];
	_ =	sdelay $0x3  }
0x96: {  	_ =	strace s3  }
0x97: {  	_ =	strace $0x8FFFFFFF  }
0x98: {  	s19 =	sld [smem:$0x3FDB];
	_ =	sdelay $0x1  }
0x99: {  	s4 =	simm.s32 $_scs_section_size  }
0x9a: {  	s5 =	simm.s32 $_size__tile_overlayer_lowered;
	s6 =	simm.s32 $_tile_overlayer_lowered  }
0x9b: {  	s22 =	simm.s32 $0x1BFF;
	s21 =	sshll.u32 s6, $0x1;
	s3 =	sadd.s32 s4, s19  }
0x9c: {  	s7 =	simm.s32 $0x0;
	s20 =	sshll.u32 s5, $0x1;
	s5 =	sadd.s32 s21, s3  }
0x9d: {  	[timem:s7], [sflag:s22] =	dma.local [hbm:s5], s20  }
0x9e: {  	_ =	swait.ge [sflag:s22], s20  }
0x9f: {  	s4 =	ssub.s32 $0x0, s20;
	[sflag:s22] =	ssyncset.done $0x0  }
0xa0: {  	[sflag:s22] =	ssyncadd.s32 s4;
	_ =	sdelay $0x1  }
0xa1: {  	s23 =	simm.s32 $0x1B8B  }
0xa2: {  	_ =	swait.ge [sflag:s23], $0x1  }
0xa3: {  	[sflag:s23] =	ssyncset.done $0x0  }
0xa4: {  	s25 =	simm.s32 $0x1B8E;
	s24 =	sld [smem:$0x3FFE];
	[sflag:s23] =	ssyncadd.s32 $0xFFFFFFFF  }
0xa5: {  	s26 =	simm.s32 $execute0_lowered;
	[smem:$0x3FD2] =	sst s25  }
0xa6: {  	s5 =	sshll.u32 s26, $0x1;
	_ =	strace $0x80000046;
	[dreg:$0x1] =	wrdreg $0xFFFFFFFF  }
0xa7: {  	s28 =	simm.s32 $_size_execute0_lowered;
	s3 =	sadd.s32 s3, s5;
	[dreg:$0x0] =	wrdreg $0x0  }
0xa8: {  	s5 =	sshll.u32 s28, $0x1;
	[dreg:$0x2] =	wrdreg s3  }
0xa9: {  	[dreg:$0x3] =	wrdreg s5  }
0xaa: {  	[dreg:$0x4] =	wrdreg $0xC0  }
0xab: {  	_ =	task [dreg:s7], $0x5FFFF  }
0xac: {  	[dreg:$0x1] =	wrdreg $0xFFFFFFFF  }
0xad: {  	[dreg:$0x0] =	wrdreg $0x60  }
0xae: {  	[dreg:$0x2] =	wrdreg s24  }
0xaf: {  	[dreg:$0x3] =	wrdreg s2  }
0xb0: {  	[dreg:$0x4] =	wrdreg $0x9  }
0xb1: {  	_ =	task.clear_ibuf [dreg:s7], $0x5FFFF;
	_ =	strace $0x90000046  }
0xb2: {  	s29 =	simm.s32 $0x9;
	_ =	strace $0x80000048  }
0xb3: {  	_ =	swait.ge [sflag:s29], $0x1  }
0xb4: {  	[sflag:s29] =	ssyncadd.s32 $0xFFFFFFFF  }
0xb5: {  	_ =	strace $0x90000048  }
0xb6: {  	_ =	sfence  }
0xb7: {  	s30 =	sld [smem:$0x0];
	_ =	sdelay $0x2  }
0xb8: {  	s31 =	sshll.u32 s1, $0xD;
	s1 =	sshrl.u32 s1, $0x2  }
0xb9: {  	s3 =	sand.u32 $0x4000, s31;
	s1 =	sadd.s32 s1, s30  }
0xba: {  	s0 =	sor.u32 s3, s0;
	s1 =	sshll.u32 s1, $0x11  }
0xbb: {  	s0 =	sor.u32 s1, s0  }
0xbc: {  	s0 =	sadd.s32 $0x8F2B, s0  }
0xbd: {  	[sflag:s0] =	ssyncadd.remote.s32 $0x1  }
0xbe: {  	_ =	sfence.sel $0xFFFF  }
0xbf: {  	[dreg:$0x0] =	wrdreg $0xFFFFFFFF;
	(pc) =	sbr.abs _section_cstart, $3  }
0xc0: {  	[dreg:$0x1] =	wrdreg $0xFFFFFFFF  }
0xc1: {  	_ =	task.clear_ibuf [dreg:s7], $0x2FFFF;
	_ =	strace $0x9FFFFFFF  }
0xc2: {  	(tm) =	ssettm $0x7FFFFFFF  }
0xc3: {  	_ =	shalt  }
tec
execute0_lowered:
.L_overlay_start_1:
0x0: {  	(tag) =	ssettag $0x1  }
0x1: {  	s4 =	rddreg [dreg:$0x0];
	s1 =	srdreg.scid  }
0x2: {  	s0 =	stileid.u32;
	s8 =	rddreg [dreg:$0x1]  }
0x3: {  	s2 =	simm.s32 $0x0;
	s13 =	simm.s32 $0x6400;
	s14 =	simm.s32 $0xA400  }
0x4: {  	s15 =	simm.s32 $0x1;
	s16 =	simm.s32 $0x100;
	s17 =	simm.s32 $0xE400  }
0x5: {  	s18 =	simm.s32 $0x2;
	s19 =	simm.s32 $0x180;
	s20 =	simm.s32 $0x12400  }
0x6: {  	s21 =	simm.s32 $0x3;
	s22 =	simm.s32 $0x5;
	s23 =	simm.s32 $0x4  }
0x7: {  	s24 =	simm.s32 $0x6;
	s25 =	simm.s32 $0x7;
	s26 =	simm.s32 $0x8  }
0x8: {  	s6 =	sand.u32 $0x1, s1;
	s3 =	sshll.u32 s0, $0x1;
	s31 =	smul.u32 $0xC8000, s0  }
0x9: {  	s28 =	simm.s32 $0x0;
	s5 =	sor.u32 s6, s3;
	s12 =	smul.u32 $0x64000, s6  }
0xa: {  	[smem:$0x7FF] =	sst s2;
	s9 =	ssub.s32 $0x2, s6;
	s7 =	smul.u32 $0x6400, s5  }
0xb: {  	_ =	strace $0x80000047;
	s10 =	sshrl.u32 s9, $0x1;
	s11 =	smul.u32 $0x320000, s5  }
0xc: {  	s3 =	sadd.s32 $0x19400, s4;
	s5 =	smul.u32 $0x64000, s5;
	s9 =	ssub.s32 s9, s10  }
0xd: {  	s10 =	sadd.s32 s31, s8;
	s7 =	sshrl.u32 s7, $0x3;
	s30 =	sshrl.u32 s11, $0x3  }
0xe: {  	s5 =	sadd.s32 s8, s5;
	s9 =	smax.u32 s9, $0x1;
	s10 =	sadd.s32 s12, s10  }
0xf: {  	s12 =	simm.s32 $0x80;
	s4 =	sadd.s32 s7, s4;
	s11 =	sadd.s32 s8, s30  }
0x10: {  	s6 =	sadd.s32 $0x800, s5;
	s10 =	sadd.s32 $0x1800, s10;
	s4 =	sadd.s32 $0x400, s4  }
0x11: {  	s7 =	sadd.s32 $0x63000, s11;
	s8 =	sadd.s32 $0x63800, s11;
	s11 =	simm.s32 $0x9  }
.LBB2_1:
0x12: {  	[tilespmem:s2], [sflag:$0x9] =	stream.linear.gather [hbm4b:s4+s2], $0x6400, $0x38;
	[tilespmem:$0x16400] =	vst v63  }
0x13: {  	_ =	swait.ge [sflag:s11], $0x6400  }
0x14: {  	[sflag:s11] =	ssyncset.done $0x0  }
0x15: {  	[sflag:s11] =	ssyncadd.s32 $0xFFFF9C00  }
0x16: {  	[tilespmem:s13], [sflag:$0x1] =	stream.indirect.gather [hbm4b:s3+s12], $0x80, s2, s12, $0xb8;
	[tilespmem:$0x16400] =	vst v63  }
0x17: {  	_ = 	snop  }
0x18: {  	[tilespmem:s14], [sflag:$0x2] =	stream.indirect.gather [hbm4b:s3+s12], $0x80, s12, s12, $0xb8;
	[tilespmem:$0x16400] =	vst v63  }
0x19: {  	_ =	swait.ge [sflag:s15], $0x4000  }
0x1a: {  	[sflag:s15] =	ssyncset.done $0x0  }
0x1b: {  	[sflag:s15] =	ssyncadd.s32 $0xFFFFC000  }
0x1c: {  	[hbm4b:s5+s2] =	stream.linear.scatter [tilespmem:s13], [sflag:$0x5], $0x4000, $0x38;
	[tilespmem:$0x16400] =	vst v63  }
0x1d: {  	_ = 	snop  }
0x1e: {  	[tilespmem:s17], [sflag:$0x3] =	stream.indirect.gather [hbm4b:s3+s12], $0x80, s16, s12, $0xb8;
	[tilespmem:$0x16400] =	vst v63  }
0x1f: {  	_ =	swait.ge [sflag:s18], $0x4000  }
0x20: {  	[sflag:s18] =	ssyncset.done $0x0  }
0x21: {  	[sflag:s18] =	ssyncadd.s32 $0xFFFFC000  }
0x22: {  	[hbm4b:s6+s2] =	stream.linear.scatter [tilespmem:s14], [sflag:$0x6], $0x4000, $0x38;
	[tilespmem:$0x16400] =	vst v63  }
0x23: {  	_ = 	snop  }
0x24: {  	[tilespmem:s20], [sflag:$0x4] =	stream.indirect.gather [hbm4b:s3+s12], $0x80, s19, s12, $0xb8;
	[tilespmem:$0x16400] =	vst v63  }
0x25: {  	_ =	swait.ge [sflag:s21], $0x4000  }
0x26: {  	[sflag:s21] =	ssyncset.done $0x0  }
0x27: {  	s29 =	sadd.s32 $0xFFFFF800, s10;
	[sflag:s21] =	ssyncadd.s32 $0xFFFFC000  }
0x28: {  	[hbm4b:s29+s2] =	stream.linear.scatter [tilespmem:s17], [sflag:$0x7], $0x4000, $0x38;
	[tilespmem:$0x16400] =	vst v63  }
0x29: {  	_ =	swait.ge [sflag:s22], $0x4000  }
0x2a: {  	[sflag:s22] =	ssyncset.done $0x0  }
0x2b: {  	s29 =	simm.s32 $0x200;
	[sflag:s22] =	ssyncadd.s32 $0xFFFFC000  }
0x2c: {  	[tilespmem:s13], [sflag:$0x1] =	stream.indirect.gather [hbm4b:s3+s12], $0x80, s29, s12, $0xb8;
	[tilespmem:$0x16400] =	vst v63  }
0x2d: {  	_ =	swait.ge [sflag:s23], $0x4000  }
0x2e: {  	[sflag:s23] =	ssyncset.done $0x0  }
0x2f: {  	[sflag:s23] =	ssyncadd.s32 $0xFFFFC000  }
0x30: {  	[hbm4b:s10+s2] =	stream.linear.scatter [tilespmem:s20], [sflag:$0x8], $0x4000, $0x38;
	[tilespmem:$0x16400] =	vst v63  }
0x31: {  	_ =	swait.ge [sflag:s24], $0x4000  }
0x32: {  	[sflag:s24] =	ssyncset.done $0x0  }
0x33: {  	s29 =	simm.s32 $0x280;
	[sflag:s24] =	ssyncadd.s32 $0xFFFFC000  }
0x34: {  	[tilespmem:s14], [sflag:$0x2] =	stream.indirect.gather [hbm4b:s3+s12], $0x80, s29, s12, $0xb8;
	[tilespmem:$0x16400] =	vst v63  }
0x35: {  	_ =	swait.ge [sflag:s15], $0x4000  }
0x36: {  	[sflag:s15] =	ssyncset.done $0x0  }
0x37: {  	s29 =	sadd.s32 $0x800, s10;
	[sflag:s15] =	ssyncadd.s32 $0xFFFFC000  }
0x38: {  	[hbm4b:s29+s2] =	stream.linear.scatter [tilespmem:s13], [sflag:$0x5], $0x4000, $0x38;
	[tilespmem:$0x16400] =	vst v63  }
0x39: {  	_ =	swait.ge [sflag:s25], $0x4000  }
0x3a: {  	[sflag:s25] =	ssyncset.done $0x0  }
0x3b: {  	s29 =	simm.s32 $0x300;
	[sflag:s25] =	ssyncadd.s32 $0xFFFFC000  }
0x3c: {  	[tilespmem:s17], [sflag:$0x3] =	stream.indirect.gather [hbm4b:s3+s12], $0x80, s29, s12, $0xb8;
	[tilespmem:$0x16400] =	vst v63  }
0x3d: {  	_ =	swait.ge [sflag:s18], $0x4000  }
0x3e: {  	[sflag:s18] =	ssyncset.done $0x0  }
0x3f: {  	s29 =	sadd.s32 $0x1000, s10;
	[sflag:s18] =	ssyncadd.s32 $0xFFFFC000  }
0x40: {  	[hbm4b:s29+s2] =	stream.linear.scatter [tilespmem:s14], [sflag:$0x6], $0x4000, $0x38;
	[tilespmem:$0x16400] =	vst v63  }
0x41: {  	_ =	swait.ge [sflag:s26], $0x4000  }
0x42: {  	s31 =	simm.s32 $0x380;
	[sflag:s26] =	ssyncset.done $0x0  }
0x43: {  	s30 =	sadd.s32 $0x2000, s10;
	s29 =	simm.s32 $0x800;
	[sflag:s26] =	ssyncadd.s32 $0xFFFFC000  }
.LBB2_2:
0x44: {  	[tilespmem:s20], [sflag:$0x4] =	stream.indirect.gather [hbm4b:s3+s12], $0x80, s31, s12, $0xb8;
	[tilespmem:$0x16400] =	vst v63  }
0x45: {  	s31 =	smov.u32 s29  }
0x46: {  	p0 =	sne.s32 s29, $0x18000;
	s29 =	sadd.s32 $0x800, s29;
	_ =	swait.ge [sflag:s21], $0x4000  }
0x47: {  	[sflag:s21] =	ssyncset.done $0x0  }
0x48: {  	s1 =	sadd.s32 $0xFFFFF800, s30;
	[sflag:s21] =	ssyncadd.s32 $0xFFFFC000  }
0x49: {  	[hbm4b:s1+s2] =	stream.linear.scatter [tilespmem:s17], [sflag:$0x7], $0x4000, $0x38;
	[tilespmem:$0x16400] =	vst v63  }
0x4a: {  	_ =	swait.ge [sflag:s22], $0x4000  }
0x4b: {  	s1 =	sshra.s32 s31, $0x2;
	[sflag:s22] =	ssyncset.done $0x0  }
0x4c: {  	s31 =	sadd.s32 $0x200, s1;
	[sflag:s22] =	ssyncadd.s32 $0xFFFFC000  }
0x4d: {  	[tilespmem:s13], [sflag:$0x1] =	stream.indirect.gather [hbm4b:s3+s12], $0x80, s31, s12, $0xb8;
	[tilespmem:$0x16400] =	vst v63  }
0x4e: {  	_ =	swait.ge [sflag:s23], $0x4000  }
0x4f: {  	[sflag:s23] =	ssyncset.done $0x0  }
0x50: {  	[sflag:s23] =	ssyncadd.s32 $0xFFFFC000  }
0x51: {  	[hbm4b:s30+s2] =	stream.linear.scatter [tilespmem:s20], [sflag:$0x8], $0x4000, $0x38;
	[tilespmem:$0x16400] =	vst v63  }
0x52: {  	_ =	swait.ge [sflag:s24], $0x4000  }
0x53: {  	[sflag:s24] =	ssyncset.done $0x0  }
0x54: {  	s31 =	sadd.s32 $0x280, s1;
	[sflag:s24] =	ssyncadd.s32 $0xFFFFC000  }
0x55: {  	[tilespmem:s14], [sflag:$0x2] =	stream.indirect.gather [hbm4b:s3+s12], $0x80, s31, s12, $0xb8;
	[tilespmem:$0x16400] =	vst v63  }
0x56: {  	_ =	swait.ge [sflag:s15], $0x4000  }
0x57: {  	[sflag:s15] =	ssyncset.done $0x0  }
0x58: {  	s31 =	sadd.s32 $0x800, s30;
	[sflag:s15] =	ssyncadd.s32 $0xFFFFC000  }
0x59: {  	[hbm4b:s31+s2] =	stream.linear.scatter [tilespmem:s13], [sflag:$0x5], $0x4000, $0x38;
	[tilespmem:$0x16400] =	vst v63  }
0x5a: {  	_ =	swait.ge [sflag:s25], $0x4000  }
0x5b: {  	[sflag:s25] =	ssyncset.done $0x0  }
0x5c: {  	s31 =	sadd.s32 $0x300, s1;
	[sflag:s25] =	ssyncadd.s32 $0xFFFFC000  }
0x5d: {  	[tilespmem:s17], [sflag:$0x3] =	stream.indirect.gather [hbm4b:s3+s12], $0x80, s31, s12, $0xb8;
	[tilespmem:$0x16400] =	vst v63  }
0x5e: {  	_ =	swait.ge [sflag:s18], $0x4000  }
0x5f: {  	[sflag:s18] =	ssyncset.done $0x0  }
.Ltmp0:
0x60: {  	s31 =	sadd.s32 $0x1000, s30;
	[sflag:s18] =	ssyncadd.s32 $0xFFFFC000;
	(pc) =	sbr.rel @p0 .LBB2_2-.Ltmp0, $4  }
0x61: {  	[hbm4b:s31+s2] =	stream.linear.scatter [tilespmem:s14], [sflag:$0x6], $0x4000, $0x38;
	[tilespmem:$0x16400] =	vst v63  }
0x62: {  	_ =	swait.ge [sflag:s26], $0x4000  }
0x63: {  	[sflag:s26] =	ssyncset.done $0x0  }
0x64: {  	s30 =	sadd.s32 $0x2000, s30;
	s31 =	sadd.s32 $0x380, s1;
	[sflag:s26] =	ssyncadd.s32 $0xFFFFC000  }
0x65: {  	[tilespmem:s20], [sflag:$0x4] =	stream.indirect.gather [hbm4b:s3+s12], $0x80, s31, s12, $0xb8;
	[tilespmem:$0x16400] =	vst v63  }
0x66: {  	_ =	swait.ge [sflag:s21], $0x4000  }
0x67: {  	[sflag:s21] =	ssyncset.done $0x0  }
0x68: {  	[sflag:s21] =	ssyncadd.s32 $0xFFFFC000  }
0x69: {  	[hbm4b:s7+s2] =	stream.linear.scatter [tilespmem:s17], [sflag:$0x7], $0x4000, $0x38;
	[tilespmem:$0x16400] =	vst v63  }
0x6a: {  	_ =	swait.ge [sflag:s23], $0x4000  }
0x6b: {  	[sflag:s23] =	ssyncset.done $0x0  }
0x6c: {  	[sflag:s23] =	ssyncadd.s32 $0xFFFFC000  }
0x6d: {  	[hbm4b:s8+s2] =	stream.linear.scatter [tilespmem:s20], [sflag:$0x8], $0x4000, $0x38;
	[tilespmem:$0x16400] =	vst v63  }
0x6e: {  	_ =	swait.ge [sflag:s22], $0x4000  }
0x6f: {  	[sflag:s22] =	ssyncset.done $0x0  }
0x70: {  	[sflag:s22] =	ssyncadd.s32 $0xFFFFC000  }
0x71: {  	_ =	swait.ge [sflag:s24], $0x4000  }
0x72: {  	[sflag:s24] =	ssyncset.done $0x0  }
0x73: {  	s28 =	sadd.s32 $0x1, s28;
	[sflag:s24] =	ssyncadd.s32 $0xFFFFC000  }
0x74: {  	p0 =	sne.s32 s28, s9;
	_ =	swait.ge [sflag:s25], $0x4000  }
.Ltmp1:
0x75: {  	[sflag:s25] =	ssyncset.done $0x0;
	(pc) =	sbr.rel @p0 .LBB2_1-.Ltmp1, $4  }
0x76: {  	[sflag:s25] =	ssyncadd.s32 $0xFFFFC000  }
0x77: {  	_ =	swait.ge [sflag:s26], $0x4000  }
0x78: {  	[sflag:s26] =	ssyncset.done $0x0  }
0x79: {  	[sflag:s26] =	ssyncadd.s32 $0xFFFFC000  }
0x7a: {  	_ =	sfence.sel $0x180000  }
0x7b: {  	[bflag:$0x0] =	sbarrier.arrive $0xFFFF  }
0x7c: {  	_ =	strace $0x90000047  }
0x7d: {  	[bflag:$0x2] =	sbarrier.arrive $0xFFFF  }
0x7e: {  	p0 =	sne.s32 s0, $0x0;
	s0 =	rddreg [dreg:$0x2]  }
0x7f: {  	s0 =	sadd.s32 @!p0 $0x100000, s0  }
0x80: {  	[sflag:s0] =	ssyncadd.tile.s32 @!p0 $0x1;
	_ =	shalt  }
.Lfunc_end2:
_tile_overlayer_lowered:
.L_overlay_start_2:
0x81: {  	(tag) =	ssettag $0x2  }
0x82: {  	s0 =	rddreg [dreg:$0x0];
	s2 =	stileid.u32  }
0x83: {  	s1 =	rddreg [dreg:$0x1];
	p0 =	sne.s32 s2, $0x0  }
0x84: {  	s3 =	rddreg [dreg:$0x2];
	[bflag:$0x3] =	sbarrier.arrive $0xFFFF;
	s2 =	simm.s32 @!p0 $0x1C09  }
0x85: {  	[timem:s3], [sflag:s2] =	dma.local @!p0 [hbm:s0], s1  }
0x86: {  	s0 =	simm.s32 @!p0 $0x9  }
0x87: {  	_ =	swait.ge @!p0 [sflag:s0], s1  }
0x88: {  	s1 =	ssub.s32 @!p0 $0x0, s1;
	[sflag:s0] =	ssyncset.done @!p0 $0x0  }
0x89: {  	[sflag:s0] =	ssyncadd.s32 @!p0 s1  }
0x8a: {  	[bflag:$0x3] =	sbarrier.arrive $0xFFFF  }
0x8b: {  	_ =	shalt  }

</sc_bundles>
